<compile_context>
chip_gen: v7x
topology: tpu7x:2x2x1
jax: 0.10.2.dev20260603
libtpu: 0.0.44.dev20260713+nightly
codegen_flags: <defaults>
</compile_context>

<pallas_src>
import functools
import jax
import jax.numpy as jnp
from jax import lax
from jax.experimental import pallas as pl
from jax.experimental.pallas import tpu as pltpu
from jax.experimental.pallas import tpu_sc as plsc

_BW = 0.02
_NB = 64
_NBIN = 512
_BINPAD = 640
_EFLAT = 16384
_L = 16


def _tab_body(bm_ref, chi0_ref, clo0_ref, chi1_ref, clo1_ref,
              e_ref, pk0_ref, t00_ref, t01_ref, pk1_ref, t10_ref, t11_ref):
    bm = bm_ref[...]
    ii = lax.broadcasted_iota(jnp.int32, (_NB + 2, _NB), 0)
    kk = lax.broadcasted_iota(jnp.int32, (_NB + 2, _NB), 1)
    ltri = (kk < ii).astype(jnp.float32)
    tmp = lax.dot_general(ltri, bm, (((1,), (0,)), ((), ())),
                          preferred_element_type=jnp.float32,
                          precision=lax.Precision.HIGHEST)
    p66 = lax.dot_general(tmp, ltri, (((1,), (1,)), ((), ())),
                          preferred_element_type=jnp.float32,
                          precision=lax.Precision.HIGHEST)
    for q0 in (0, 1):
        for q1 in (0, 1):
            e_ref[q0 * 2 + q1] = (
                p66[1 + q0:65 + q0, 1 + q1:65 + q1]
                - p66[0:64, 1 + q1:65 + q1]
                - p66[1 + q0:65 + q0, 0:64]
                + p66[0:64, 0:64])

    bb = lax.broadcasted_iota(jnp.int32, (_BINPAD, 128), 0).astype(jnp.float32)
    s = (bb - 0.25) * (1.0 / _NBIN)
    big = jnp.float32(3.0e38)

    def tables(chi_ref, clo_ref, pk_ref, t0_ref, t1_ref):
        chi = chi_ref[...]
        clo = clo_ref[...]
        f_cnt = jnp.sum((chi < s).astype(jnp.int32), axis=1)
        thr0 = jnp.min(jnp.where(chi >= s, chi, big), axis=1)
        l_cnt = jnp.sum((clo <= s).astype(jnp.int32), axis=1)
        thr1 = jnp.min(jnp.where(clo > s, clo, big), axis=1)
        pk_ref[...] = f_cnt + (l_cnt - 1) * 256
        t0_ref[...] = thr0
        t1_ref[...] = thr1

    tables(chi0_ref, clo0_ref, pk0_ref, t00_ref, t01_ref)
    tables(chi1_ref, clo1_ref, pk1_ref, t10_ref, t11_ref)


def _b2i(cond):
    one = jnp.full((_L,), 1, jnp.int32)
    zero = jnp.full((_L,), 0, jnp.int32)
    return jnp.where(cond, one, zero)


def _make_sc(n):
    info = plsc.get_sparse_core_info()
    nc, ns = info.num_cores, info.num_subcores
    nw = nc * ns
    per_w = n // nw
    mesh = plsc.VectorSubcoreMesh(core_axis_name="c", subcore_axis_name="s")

    @functools.partial(
        pl.kernel,
        out_type=jax.ShapeDtypeStruct((n,), jnp.float32),
        mesh=mesh,
        compiler_params=pltpu.CompilerParams(needs_layout_passes=False),
        scratch_types=[
            pltpu.VMEM((per_w,), jnp.float32),
            pltpu.VMEM((per_w,), jnp.float32),
            pltpu.VMEM((per_w,), jnp.float32),
            pltpu.VMEM((_EFLAT,), jnp.float32),
            pltpu.VMEM((_BINPAD,), jnp.int32),
            pltpu.VMEM((_BINPAD,), jnp.float32),
            pltpu.VMEM((_BINPAD,), jnp.float32),
            pltpu.VMEM((_BINPAD,), jnp.int32),
            pltpu.VMEM((_BINPAD,), jnp.float32),
            pltpu.VMEM((_BINPAD,), jnp.float32),
            pltpu.SemaphoreType.DMA,
            pltpu.SemaphoreType.DMA,
            pltpu.SemaphoreType.DMA,
        ],
    )
    def sc_kernel(x0_hbm, x1_hbm, e_hbm, pk0_hbm, t00_hbm, t01_hbm,
                  pk1_hbm, t10_hbm, t11_hbm, y_hbm,
                  x0_v, x1_v, y_v, e_v, pk0_v, t00_v, t01_v,
                  pk1_v, t10_v, t11_v, sem_a, sem_b, sem_y):
        wid = lax.axis_index("s") * nc + lax.axis_index("c")
        base = wid * per_w
        half = per_w // 2
        copies_a = [
            pltpu.async_copy(x0_hbm.at[pl.ds(base, half)],
                             x0_v.at[pl.ds(0, half)], sem_a),
            pltpu.async_copy(x1_hbm.at[pl.ds(base, half)],
                             x1_v.at[pl.ds(0, half)], sem_a),
            pltpu.async_copy(e_hbm, e_v, sem_a),
            pltpu.async_copy(pk0_hbm, pk0_v, sem_a),
            pltpu.async_copy(t00_hbm, t00_v, sem_a),
            pltpu.async_copy(t01_hbm, t01_v, sem_a),
            pltpu.async_copy(pk1_hbm, pk1_v, sem_a),
            pltpu.async_copy(t10_hbm, t10_v, sem_a),
            pltpu.async_copy(t11_hbm, t11_v, sem_a),
        ]
        copies_b = [
            pltpu.async_copy(x0_hbm.at[pl.ds(base + half, half)],
                             x0_v.at[pl.ds(half, half)], sem_b),
            pltpu.async_copy(x1_hbm.at[pl.ds(base + half, half)],
                             x1_v.at[pl.ds(half, half)], sem_b),
        ]
        for c in copies_a:
            c.wait()

        def bounds(xv, pk_v, t0_v, t1_v):
            b = (xv * jnp.float32(_NBIN)).astype(jnp.int32)
            e = plsc.load_gather(pk_v, [b])
            thr0 = plsc.load_gather(t0_v, [b])
            thr1 = plsc.load_gather(t1_v, [b])
            f = (e & 255) + _b2i(thr0 < xv)
            l = (e >> 8) + _b2i(thr1 <= xv)
            return f, l

        def body(off):
            xv0 = x0_v[pl.ds(off, _L)]
            xv1 = x1_v[pl.ds(off, _L)]
            f0, l0 = bounds(xv0, pk0_v, t00_v, t01_v)
            f1, l1 = bounds(xv1, pk1_v, t10_v, t11_v)
            idx = (((l0 - f0) << 13) + ((l1 - f1) << 12)
                   + (f0 << 6) + f1 - 12288)
            y_v[pl.ds(off, _L)] = plsc.load_gather(e_v, [idx])

        plsc.parallel_loop(0, half, step=_L, unroll=8)(body)
        y0 = pltpu.async_copy(y_v.at[pl.ds(0, half)],
                              y_hbm.at[pl.ds(base, half)], sem_y)
        for c in copies_b:
            c.wait()
        plsc.parallel_loop(half, per_w, step=_L, unroll=8)(body)
        y1 = pltpu.async_copy(y_v.at[pl.ds(half, half)],
                              y_hbm.at[pl.ds(base + half, half)], sem_y)
        y0.wait()
        y1.wait()

    return sc_kernel


def kernel(x, b_m, b_c_0, b_c_1):
    n = x.shape[0]
    big = jnp.full((1, 128 - _NB), 3.0e38, jnp.float32)

    def pad128(v):
        return jnp.concatenate([v.astype(jnp.float32)[None, :], big], axis=1)

    chi0 = pad128(b_c_0 + _BW)
    clo0 = pad128(b_c_0 - _BW)
    chi1 = pad128(b_c_1 + _BW)
    clo1 = pad128(b_c_1 - _BW)

    e4, pk0, t00, t01, pk1, t10, t11 = pl.pallas_call(
        _tab_body,
        out_shape=(
            jax.ShapeDtypeStruct((4, _NB, _NB), jnp.float32),
            jax.ShapeDtypeStruct((_BINPAD,), jnp.int32),
            jax.ShapeDtypeStruct((_BINPAD,), jnp.float32),
            jax.ShapeDtypeStruct((_BINPAD,), jnp.float32),
            jax.ShapeDtypeStruct((_BINPAD,), jnp.int32),
            jax.ShapeDtypeStruct((_BINPAD,), jnp.float32),
            jax.ShapeDtypeStruct((_BINPAD,), jnp.float32),
        ),
    )(b_m, chi0, clo0, chi1, clo1)

    y = _make_sc(n)(x[:, 0], x[:, 1], e4.reshape(-1), pk0, t00, t01,
                    pk1, t10, t11)
    return y[:, None]

# --- scband reference (transcript-rebuilt; emitter-appended) ---
"""Pipeline reference for scband-sum-of-tiled-hyper-cube-basis-fcns-68143951118418 (READ-ONLY COPY).

The authoritative reference and input builder live on the scoring server;
editing this copy changes nothing except your own understanding.
"""

import jax, jax.numpy as jnp
import numpy as np

N_CUBES = (64, 64)
DIM_RANGES = np.array([[0.0, 1.0], [0.0, 1.0]], dtype=np.float32)
B_W = (0.02, 0.02)
N_SMPS = 1048576


def setup_inputs(seed: int = 0) -> dict:
    key = jax.random.key(seed)
    k1, k2 = jax.random.split(key)
    x = jax.random.uniform(k1, (N_SMPS, 2), dtype=jnp.float32)
    # learned parameter b_m (torch initializes to zeros; randomize for a meaningful test)
    b_m = jax.random.normal(k2, N_CUBES, dtype=jnp.float32)
    # registered buffers: bump centers per dim
    b_c_0 = jnp.linspace(DIM_RANGES[0, 0], DIM_RANGES[0, 1], N_CUBES[0], dtype=jnp.float32)
    b_c_1 = jnp.linspace(DIM_RANGES[1, 0], DIM_RANGES[1, 1], N_CUBES[1], dtype=jnp.float32)
    return {"x": x, "b_m": b_m, "b_c_0": b_c_0, "b_c_1": b_c_1}


def _first_last(xd, centers, bw):
    # membership mask exactly as torch: (x >= ctr - bw) & (x <= ctr + bw)
    mask = (xd[:, None] >= centers[None, :] - bw) & (xd[:, None] <= centers[None, :] + bw)
    first = jnp.argmax(mask, axis=1)
    last = mask.shape[1] - 1 - jnp.argmax(mask[:, ::-1], axis=1)
    return first, last


def reference(x, b_m, b_c_0, b_c_1):
    # torch sums b_m over slice(first, last) per dim -> rows [f0, l0) x cols [f1, l1)
    # (END-EXCLUSIVE at the last active index, matching slice(s_a[0], s_a[-1])).
    f0, l0 = _first_last(x[:, 0], b_c_0, B_W[0])
    f1, l1 = _first_last(x[:, 1], b_c_1, B_W[1])
    # 2D summed-area table, padded so P[i, j] = sum(b_m[:i, :j])
    P = jnp.pad(jnp.cumsum(jnp.cumsum(b_m, axis=0), axis=1), ((1, 0), (1, 0)))
    y = P[l0, l1] - P[f0, l1] - P[l0, f1] + P[f0, f1]
    return y[:, None]

if __name__ == "__main__":
    import jax
    _d = setup_inputs()
    print(jax.jit(kernel)(*tuple(_d.values())))

</pallas_src>

<mosaic_0001>
#map = affine_map<(d0, d1) -> (0)>
module attributes {stable_mosaic.version = 14 : i64} {
  func.func @sc_kernel(%arg0: i32, %arg1: i32, %arg2: memref<1048576xf32, #tpu.memory_space<hbm>>, %arg3: memref<1048576xf32, #tpu.memory_space<hbm>>, %arg4: memref<16384xf32, #tpu.memory_space<hbm>>, %arg5: memref<640xi32, #tpu.memory_space<hbm>>, %arg6: memref<640xf32, #tpu.memory_space<hbm>>, %arg7: memref<640xf32, #tpu.memory_space<hbm>>, %arg8: memref<640xi32, #tpu.memory_space<hbm>>, %arg9: memref<640xf32, #tpu.memory_space<hbm>>, %arg10: memref<640xf32, #tpu.memory_space<hbm>>, %arg11: memref<1048576xf32, #tpu.memory_space<hbm>>, %arg12: memref<32768xf32, #tpu.memory_space<vmem>>, %arg13: memref<32768xf32, #tpu.memory_space<vmem>>, %arg14: memref<32768xf32, #tpu.memory_space<vmem>>, %arg15: memref<16384xf32, #tpu.memory_space<vmem>>, %arg16: memref<640xi32, #tpu.memory_space<vmem>>, %arg17: memref<640xf32, #tpu.memory_space<vmem>>, %arg18: memref<640xf32, #tpu.memory_space<vmem>>, %arg19: memref<640xi32, #tpu.memory_space<vmem>>, %arg20: memref<640xf32, #tpu.memory_space<vmem>>, %arg21: memref<640xf32, #tpu.memory_space<vmem>>, %arg22: memref<!tpu.dma_semaphore, #tpu.memory_space<semaphore_mem>>, %arg23: memref<!tpu.dma_semaphore, #tpu.memory_space<semaphore_mem>>, %arg24: memref<!tpu.dma_semaphore, #tpu.memory_space<semaphore_mem>>) attributes {dimension_semantics = [#tpu.dimension_semantics<core_parallel>, #tpu.dimension_semantics<subcore_parallel>], iteration_bounds = array<i64: 2, 16>, scalar_prefetch = 0 : i64, scratch_operands = 13 : i64, tpu.core_type = #tpu.core_type<sc_vector_subcore>, window_params = [{transform_indices = #map}, {transform_indices = #map}, {transform_indices = #map}, {transform_indices = #map}, {transform_indices = #map}, {transform_indices = #map}, {transform_indices = #map}, {transform_indices = #map}, {transform_indices = #map}, {transform_indices = #map}]} {
    %mul3A = arith.constant 2 : i32
    %mul3A_0 = arith.muli %arg1, %mul3A : i32
    %add3A = arith.addi %mul3A_0, %arg0 : i32
    %mul3A_1 = arith.constant 32768 : i32
    %mul3A_2 = arith.muli %add3A, %mul3A_1 : i32
    %dma_start3A = arith.constant 0 : i32
    %dma_start3A_3 = tpu.memref_slice %arg12[%dma_start3A] : memref<32768xf32, #tpu.memory_space<vmem>> -> memref<16384xf32, #tpu.memory_space<vmem>>
    %dma_start3A_4 = tpu.memref_slice %arg2[%mul3A_2] : memref<1048576xf32, #tpu.memory_space<hbm>> -> memref<16384xf32, #tpu.memory_space<hbm>>
    %dma_start3A_5 = arith.constant 0 : i32
    %dma_start3A_6 = tpu.memref_slice %arg12[%dma_start3A_5] : memref<32768xf32, #tpu.memory_space<vmem>> -> memref<16384xf32, #tpu.memory_space<vmem>>
    %dma_start3A_7 = tpu.memref_slice %arg2[%mul3A_2] : memref<1048576xf32, #tpu.memory_space<hbm>> -> memref<16384xf32, #tpu.memory_space<hbm>>
    tpu.enqueue_dma source(%dma_start3A_7 : memref<16384xf32, #tpu.memory_space<hbm>>) target(%dma_start3A_6 : memref<16384xf32, #tpu.memory_space<vmem>>) target_semaphore(%arg22 : memref<!tpu.dma_semaphore, #tpu.memory_space<semaphore_mem>>)
    %dma_start3A_8 = arith.constant 0 : i32
    %dma_start3A_9 = tpu.memref_slice %arg13[%dma_start3A_8] : memref<32768xf32, #tpu.memory_space<vmem>> -> memref<16384xf32, #tpu.memory_space<vmem>>
    %dma_start3A_10 = tpu.memref_slice %arg3[%mul3A_2] : memref<1048576xf32, #tpu.memory_space<hbm>> -> memref<16384xf32, #tpu.memory_space<hbm>>
    %dma_start3A_11 = arith.constant 0 : i32
    %dma_start3A_12 = tpu.memref_slice %arg13[%dma_start3A_11] : memref<32768xf32, #tpu.memory_space<vmem>> -> memref<16384xf32, #tpu.memory_space<vmem>>
    %dma_start3A_13 = tpu.memref_slice %arg3[%mul3A_2] : memref<1048576xf32, #tpu.memory_space<hbm>> -> memref<16384xf32, #tpu.memory_space<hbm>>
    tpu.enqueue_dma source(%dma_start3A_13 : memref<16384xf32, #tpu.memory_space<hbm>>) target(%dma_start3A_12 : memref<16384xf32, #tpu.memory_space<vmem>>) target_semaphore(%arg22 : memref<!tpu.dma_semaphore, #tpu.memory_space<semaphore_mem>>)
    tpu.enqueue_dma source(%arg4 : memref<16384xf32, #tpu.memory_space<hbm>>) target(%arg15 : memref<16384xf32, #tpu.memory_space<vmem>>) target_semaphore(%arg22 : memref<!tpu.dma_semaphore, #tpu.memory_space<semaphore_mem>>)
    tpu.enqueue_dma source(%arg5 : memref<640xi32, #tpu.memory_space<hbm>>) target(%arg16 : memref<640xi32, #tpu.memory_space<vmem>>) target_semaphore(%arg22 : memref<!tpu.dma_semaphore, #tpu.memory_space<semaphore_mem>>)
    tpu.enqueue_dma source(%arg6 : memref<640xf32, #tpu.memory_space<hbm>>) target(%arg17 : memref<640xf32, #tpu.memory_space<vmem>>) target_semaphore(%arg22 : memref<!tpu.dma_semaphore, #tpu.memory_space<semaphore_mem>>)
    tpu.enqueue_dma source(%arg7 : memref<640xf32, #tpu.memory_space<hbm>>) target(%arg18 : memref<640xf32, #tpu.memory_space<vmem>>) target_semaphore(%arg22 : memref<!tpu.dma_semaphore, #tpu.memory_space<semaphore_mem>>)
    tpu.enqueue_dma source(%arg8 : memref<640xi32, #tpu.memory_space<hbm>>) target(%arg19 : memref<640xi32, #tpu.memory_space<vmem>>) target_semaphore(%arg22 : memref<!tpu.dma_semaphore, #tpu.memory_space<semaphore_mem>>)
    tpu.enqueue_dma source(%arg9 : memref<640xf32, #tpu.memory_space<hbm>>) target(%arg20 : memref<640xf32, #tpu.memory_space<vmem>>) target_semaphore(%arg22 : memref<!tpu.dma_semaphore, #tpu.memory_space<semaphore_mem>>)
    tpu.enqueue_dma source(%arg10 : memref<640xf32, #tpu.memory_space<hbm>>) target(%arg21 : memref<640xf32, #tpu.memory_space<vmem>>) target_semaphore(%arg22 : memref<!tpu.dma_semaphore, #tpu.memory_space<semaphore_mem>>)
    %add3A_14 = arith.constant 16384 : i32
    %add3A_15 = arith.addi %mul3A_2, %add3A_14 : i32
    %dma_start3A_16 = arith.constant 16384 : i32
    %dma_start3A_17 = tpu.memref_slice %arg12[%dma_start3A_16] : memref<32768xf32, #tpu.memory_space<vmem>> -> memref<16384xf32, #tpu.memory_space<vmem>>
    %dma_start3A_18 = tpu.memref_slice %arg2[%add3A_15] : memref<1048576xf32, #tpu.memory_space<hbm>> -> memref<16384xf32, #tpu.memory_space<hbm>>
    %dma_start3A_19 = arith.constant 16384 : i32
    %dma_start3A_20 = tpu.memref_slice %arg12[%dma_start3A_19] : memref<32768xf32, #tpu.memory_space<vmem>> -> memref<16384xf32, #tpu.memory_space<vmem>>
    %dma_start3A_21 = tpu.memref_slice %arg2[%add3A_15] : memref<1048576xf32, #tpu.memory_space<hbm>> -> memref<16384xf32, #tpu.memory_space<hbm>>
    tpu.enqueue_dma source(%dma_start3A_21 : memref<16384xf32, #tpu.memory_space<hbm>>) target(%dma_start3A_20 : memref<16384xf32, #tpu.memory_space<vmem>>) target_semaphore(%arg23 : memref<!tpu.dma_semaphore, #tpu.memory_space<semaphore_mem>>)
    %add3A_22 = arith.constant 16384 : i32
    %add3A_23 = arith.addi %mul3A_2, %add3A_22 : i32
    %dma_start3A_24 = arith.constant 16384 : i32
    %dma_start3A_25 = tpu.memref_slice %arg13[%dma_start3A_24] : memref<32768xf32, #tpu.memory_space<vmem>> -> memref<16384xf32, #tpu.memory_space<vmem>>
    %dma_start3A_26 = tpu.memref_slice %arg3[%add3A_23] : memref<1048576xf32, #tpu.memory_space<hbm>> -> memref<16384xf32, #tpu.memory_space<hbm>>
    %dma_start3A_27 = arith.constant 16384 : i32
    %dma_start3A_28 = tpu.memref_slice %arg13[%dma_start3A_27] : memref<32768xf32, #tpu.memory_space<vmem>> -> memref<16384xf32, #tpu.memory_space<vmem>>
    %dma_start3A_29 = tpu.memref_slice %arg3[%add3A_23] : memref<1048576xf32, #tpu.memory_space<hbm>> -> memref<16384xf32, #tpu.memory_space<hbm>>
    tpu.enqueue_dma source(%dma_start3A_29 : memref<16384xf32, #tpu.memory_space<hbm>>) target(%dma_start3A_28 : memref<16384xf32, #tpu.memory_space<vmem>>) target_semaphore(%arg23 : memref<!tpu.dma_semaphore, #tpu.memory_space<semaphore_mem>>)
    %dma_wait3A = arith.constant 0 : i32
    %dma_wait3A_30 = tpu.memref_slice %arg12[%dma_wait3A] : memref<32768xf32, #tpu.memory_space<vmem>> -> memref<16384xf32, #tpu.memory_space<vmem>>
    %dma_wait3A_31 = tpu.memref_slice %arg2[%mul3A_2] : memref<1048576xf32, #tpu.memory_space<hbm>> -> memref<16384xf32, #tpu.memory_space<hbm>>
    %dma_wait3A_32 = arith.constant 0 : i32
    %dma_wait3A_33 = tpu.memref_slice %arg12[%dma_wait3A_32] : memref<32768xf32, #tpu.memory_space<vmem>> -> memref<16384xf32, #tpu.memory_space<vmem>>
    %dma_wait3A_34 = tpu.memref_slice %arg2[%mul3A_2] : memref<1048576xf32, #tpu.memory_space<hbm>> -> memref<16384xf32, #tpu.memory_space<hbm>>
    tpu.wait_dma2 semaphore(%arg22 : memref<!tpu.dma_semaphore, #tpu.memory_space<semaphore_mem>>) src(%dma_wait3A_34 : memref<16384xf32, #tpu.memory_space<hbm>>) dst(%dma_wait3A_33 : memref<16384xf32, #tpu.memory_space<vmem>>)
    %dma_wait3A_35 = arith.constant 0 : i32
    %dma_wait3A_36 = tpu.memref_slice %arg13[%dma_wait3A_35] : memref<32768xf32, #tpu.memory_space<vmem>> -> memref<16384xf32, #tpu.memory_space<vmem>>
    %dma_wait3A_37 = tpu.memref_slice %arg3[%mul3A_2] : memref<1048576xf32, #tpu.memory_space<hbm>> -> memref<16384xf32, #tpu.memory_space<hbm>>
    %dma_wait3A_38 = arith.constant 0 : i32
    %dma_wait3A_39 = tpu.memref_slice %arg13[%dma_wait3A_38] : memref<32768xf32, #tpu.memory_space<vmem>> -> memref<16384xf32, #tpu.memory_space<vmem>>
    %dma_wait3A_40 = tpu.memref_slice %arg3[%mul3A_2] : memref<1048576xf32, #tpu.memory_space<hbm>> -> memref<16384xf32, #tpu.memory_space<hbm>>
    tpu.wait_dma2 semaphore(%arg22 : memref<!tpu.dma_semaphore, #tpu.memory_space<semaphore_mem>>) src(%dma_wait3A_40 : memref<16384xf32, #tpu.memory_space<hbm>>) dst(%dma_wait3A_39 : memref<16384xf32, #tpu.memory_space<vmem>>)
    tpu.wait_dma2 semaphore(%arg22 : memref<!tpu.dma_semaphore, #tpu.memory_space<semaphore_mem>>) src(%arg4 : memref<16384xf32, #tpu.memory_space<hbm>>) dst(%arg15 : memref<16384xf32, #tpu.memory_space<vmem>>)
    tpu.wait_dma2 semaphore(%arg22 : memref<!tpu.dma_semaphore, #tpu.memory_space<semaphore_mem>>) src(%arg5 : memref<640xi32, #tpu.memory_space<hbm>>) dst(%arg16 : memref<640xi32, #tpu.memory_space<vmem>>)
    tpu.wait_dma2 semaphore(%arg22 : memref<!tpu.dma_semaphore, #tpu.memory_space<semaphore_mem>>) src(%arg6 : memref<640xf32, #tpu.memory_space<hbm>>) dst(%arg17 : memref<640xf32, #tpu.memory_space<vmem>>)
    tpu.wait_dma2 semaphore(%arg22 : memref<!tpu.dma_semaphore, #tpu.memory_space<semaphore_mem>>) src(%arg7 : memref<640xf32, #tpu.memory_space<hbm>>) dst(%arg18 : memref<640xf32, #tpu.memory_space<vmem>>)
    tpu.wait_dma2 semaphore(%arg22 : memref<!tpu.dma_semaphore, #tpu.memory_space<semaphore_mem>>) src(%arg8 : memref<640xi32, #tpu.memory_space<hbm>>) dst(%arg19 : memref<640xi32, #tpu.memory_space<vmem>>)
    tpu.wait_dma2 semaphore(%arg22 : memref<!tpu.dma_semaphore, #tpu.memory_space<semaphore_mem>>) src(%arg9 : memref<640xf32, #tpu.memory_space<hbm>>) dst(%arg20 : memref<640xf32, #tpu.memory_space<vmem>>)
    tpu.wait_dma2 semaphore(%arg22 : memref<!tpu.dma_semaphore, #tpu.memory_space<semaphore_mem>>) src(%arg10 : memref<640xf32, #tpu.memory_space<hbm>>) dst(%arg21 : memref<640xf32, #tpu.memory_space<vmem>>)
    %parallel_loop3A = arith.constant 0 : i32
    %parallel_loop3A_41 = arith.constant 16384 : i32
    %parallel_loop3A_42 = arith.constant 16 : i32
    scf.for %parallel_loop3A_84 = %parallel_loop3A to %parallel_loop3A_41 step %parallel_loop3A_42  : i32 {
      %parallel_loop3A_85 = arith.index_cast %parallel_loop3A_84 : i32 to index
      %parallel_loop3A_86 = tpu.vector_load %arg12[%parallel_loop3A_85] {strides = array<i32>} : memref<32768xf32, #tpu.memory_space<vmem>>, vector<16xf32>,
      %parallel_loop3A_87 = arith.index_cast %parallel_loop3A_84 : i32 to index
      %parallel_loop3A_88 = tpu.vector_load %arg13[%parallel_loop3A_87] {strides = array<i32>} : memref<32768xf32, #tpu.memory_space<vmem>>, vector<16xf32>,
      %parallel_loop3A_89 = arith.constant 5.120000e+02 : f32
      %parallel_loop3A_90 = vector.broadcast %parallel_loop3A_89 : f32 to vector<16xf32>
      %parallel_loop3A_91 = arith.mulf %parallel_loop3A_86, %parallel_loop3A_90 : vector<16xf32>
      %parallel_loop3A_92 = arith.fptosi %parallel_loop3A_91 : vector<16xf32> to vector<16xi32>
      %parallel_loop3A_93 = tpu.vector_load_idx %arg16[%parallel_loop3A_92] : memref<640xi32, #tpu.memory_space<vmem>>[vector<16xi32>], vector<16xi32>,
      %parallel_loop3A_94 = tpu.vector_load_idx %arg17[%parallel_loop3A_92] : memref<640xf32, #tpu.memory_space<vmem>>[vector<16xi32>], vector<16xf32>,
      %parallel_loop3A_95 = tpu.vector_load_idx %arg18[%parallel_loop3A_92] : memref<640xf32, #tpu.memory_space<vmem>>[vector<16xi32>], vector<16xf32>,
      %parallel_loop3A_96 = arith.constant 255 : i32
      %parallel_loop3A_97 = vector.broadcast %parallel_loop3A_96 : i32 to vector<16xi32>
      %parallel_loop3A_98 = arith.andi %parallel_loop3A_93, %parallel_loop3A_97 : vector<16xi32>
      %parallel_loop3A_99 = arith.cmpf olt, %parallel_loop3A_94, %parallel_loop3A_86 : vector<16xf32>
      %parallel_loop3A_100 = arith.constant 1 : i32
      %parallel_loop3A_101 = vector.broadcast %parallel_loop3A_100 : i32 to vector<16xi32>
      %parallel_loop3A_102 = arith.constant 0 : i32
      %parallel_loop3A_103 = vector.broadcast %parallel_loop3A_102 : i32 to vector<16xi32>
      %parallel_loop3A_104 = arith.select %parallel_loop3A_99, %parallel_loop3A_101, %parallel_loop3A_103 : vector<16xi1>, vector<16xi32>
      %parallel_loop3A_105 = arith.addi %parallel_loop3A_98, %parallel_loop3A_104 : vector<16xi32>
      %parallel_loop3A_106 = arith.constant 8 : i32
      %parallel_loop3A_107 = vector.broadcast %parallel_loop3A_106 : i32 to vector<16xi32>
      %parallel_loop3A_108 = arith.shrsi %parallel_loop3A_93, %parallel_loop3A_107 : vector<16xi32>
      %parallel_loop3A_109 = arith.cmpf ole, %parallel_loop3A_95, %parallel_loop3A_86 : vector<16xf32>
      %parallel_loop3A_110 = arith.constant 1 : i32
      %parallel_loop3A_111 = vector.broadcast %parallel_loop3A_110 : i32 to vector<16xi32>
      %parallel_loop3A_112 = arith.constant 0 : i32
      %parallel_loop3A_113 = vector.broadcast %parallel_loop3A_112 : i32 to vector<16xi32>
      %parallel_loop3A_114 = arith.select %parallel_loop3A_109, %parallel_loop3A_111, %parallel_loop3A_113 : vector<16xi1>, vector<16xi32>
      %parallel_loop3A_115 = arith.addi %parallel_loop3A_108, %parallel_loop3A_114 : vector<16xi32>
      %parallel_loop3A_116 = arith.constant 5.120000e+02 : f32
      %parallel_loop3A_117 = vector.broadcast %parallel_loop3A_116 : f32 to vector<16xf32>
      %parallel_loop3A_118 = arith.mulf %parallel_loop3A_88, %parallel_loop3A_117 : vector<16xf32>
      %parallel_loop3A_119 = arith.fptosi %parallel_loop3A_118 : vector<16xf32> to vector<16xi32>
      %parallel_loop3A_120 = tpu.vector_load_idx %arg19[%parallel_loop3A_119] : memref<640xi32, #tpu.memory_space<vmem>>[vector<16xi32>], vector<16xi32>,
      %parallel_loop3A_121 = tpu.vector_load_idx %arg20[%parallel_loop3A_119] : memref<640xf32, #tpu.memory_space<vmem>>[vector<16xi32>], vector<16xf32>,
      %parallel_loop3A_122 = tpu.vector_load_idx %arg21[%parallel_loop3A_119] : memref<640xf32, #tpu.memory_space<vmem>>[vector<16xi32>], vector<16xf32>,
      %parallel_loop3A_123 = arith.constant 255 : i32
      %parallel_loop3A_124 = vector.broadcast %parallel_loop3A_123 : i32 to vector<16xi32>
      %parallel_loop3A_125 = arith.andi %parallel_loop3A_120, %parallel_loop3A_124 : vector<16xi32>
      %parallel_loop3A_126 = arith.cmpf olt, %parallel_loop3A_121, %parallel_loop3A_88 : vector<16xf32>
      %parallel_loop3A_127 = arith.constant 1 : i32
      %parallel_loop3A_128 = vector.broadcast %parallel_loop3A_127 : i32 to vector<16xi32>
      %parallel_loop3A_129 = arith.constant 0 : i32
      %parallel_loop3A_130 = vector.broadcast %parallel_loop3A_129 : i32 to vector<16xi32>
      %parallel_loop3A_131 = arith.select %parallel_loop3A_126, %parallel_loop3A_128, %parallel_loop3A_130 : vector<16xi1>, vector<16xi32>
      %parallel_loop3A_132 = arith.addi %parallel_loop3A_125, %parallel_loop3A_131 : vector<16xi32>
      %parallel_loop3A_133 = arith.constant 8 : i32
      %parallel_loop3A_134 = vector.broadcast %parallel_loop3A_133 : i32 to vector<16xi32>
      %parallel_loop3A_135 = arith.shrsi %parallel_loop3A_120, %parallel_loop3A_134 : vector<16xi32>
      %parallel_loop3A_136 = arith.cmpf ole, %parallel_loop3A_122, %parallel_loop3A_88 : vector<16xf32>
      %parallel_loop3A_137 = arith.constant 1 : i32
      %parallel_loop3A_138 = vector.broadcast %parallel_loop3A_137 : i32 to vector<16xi32>
      %parallel_loop3A_139 = arith.constant 0 : i32
      %parallel_loop3A_140 = vector.broadcast %parallel_loop3A_139 : i32 to vector<16xi32>
      %parallel_loop3A_141 = arith.select %parallel_loop3A_136, %parallel_loop3A_138, %parallel_loop3A_140 : vector<16xi1>, vector<16xi32>
      %parallel_loop3A_142 = arith.addi %parallel_loop3A_135, %parallel_loop3A_141 : vector<16xi32>
      %parallel_loop3A_143 = arith.subi %parallel_loop3A_115, %parallel_loop3A_105 : vector<16xi32>
      %parallel_loop3A_144 = arith.constant 13 : i32
      %parallel_loop3A_145 = vector.broadcast %parallel_loop3A_144 : i32 to vector<16xi32>
      %parallel_loop3A_146 = arith.shli %parallel_loop3A_143, %parallel_loop3A_145 : vector<16xi32>
      %parallel_loop3A_147 = arith.subi %parallel_loop3A_142, %parallel_loop3A_132 : vector<16xi32>
      %parallel_loop3A_148 = arith.constant 12 : i32
      %parallel_loop3A_149 = vector.broadcast %parallel_loop3A_148 : i32 to vector<16xi32>
      %parallel_loop3A_150 = arith.shli %parallel_loop3A_147, %parallel_loop3A_149 : vector<16xi32>
      %parallel_loop3A_151 = arith.addi %parallel_loop3A_146, %parallel_loop3A_150 : vector<16xi32>
      %parallel_loop3A_152 = arith.constant 6 : i32
      %parallel_loop3A_153 = vector.broadcast %parallel_loop3A_152 : i32 to vector<16xi32>
      %parallel_loop3A_154 = arith.shli %parallel_loop3A_105, %parallel_loop3A_153 : vector<16xi32>
      %parallel_loop3A_155 = arith.addi %parallel_loop3A_151, %parallel_loop3A_154 : vector<16xi32>
      %parallel_loop3A_156 = arith.addi %parallel_loop3A_155, %parallel_loop3A_132 : vector<16xi32>
      %parallel_loop3A_157 = arith.constant 12288 : i32
      %parallel_loop3A_158 = vector.broadcast %parallel_loop3A_157 : i32 to vector<16xi32>
      %parallel_loop3A_159 = arith.subi %parallel_loop3A_156, %parallel_loop3A_158 : vector<16xi32>
      %parallel_loop3A_160 = tpu.vector_load_idx %arg15[%parallel_loop3A_159] : memref<16384xf32, #tpu.memory_space<vmem>>[vector<16xi32>], vector<16xf32>,
      %parallel_loop3A_161 = arith.index_cast %parallel_loop3A_84 : i32 to index
      %parallel_loop3A_162 = tpu.vector_load %arg14[%parallel_loop3A_161] {strides = array<i32>} : memref<32768xf32, #tpu.memory_space<vmem>>, vector<16xf32>,
      tpu.vector_store %arg14[%parallel_loop3A_161], %parallel_loop3A_160 {strides = array<i32>} : memref<32768xf32, #tpu.memory_space<vmem>>, vector<16xf32>,
    } {sc.loop_unroll_factor = 8 : i64, sc.parallel_access}
    %dma_start3A_43 = arith.constant 0 : i32
    %dma_start3A_44 = tpu.memref_slice %arg14[%dma_start3A_43] : memref<32768xf32, #tpu.memory_space<vmem>> -> memref<16384xf32, #tpu.memory_space<vmem>>
    %dma_start3A_45 = tpu.memref_slice %arg11[%mul3A_2] : memref<1048576xf32, #tpu.memory_space<hbm>> -> memref<16384xf32, #tpu.memory_space<hbm>>
    %dma_start3A_46 = tpu.memref_slice %arg11[%mul3A_2] : memref<1048576xf32, #tpu.memory_space<hbm>> -> memref<16384xf32, #tpu.memory_space<hbm>>
    %dma_start3A_47 = arith.constant 0 : i32
    %dma_start3A_48 = tpu.memref_slice %arg14[%dma_start3A_47] : memref<32768xf32, #tpu.memory_space<vmem>> -> memref<16384xf32, #tpu.memory_space<vmem>>
    tpu.enqueue_dma source(%dma_start3A_48 : memref<16384xf32, #tpu.memory_space<vmem>>) target(%dma_start3A_46 : memref<16384xf32, #tpu.memory_space<hbm>>) target_semaphore(%arg24 : memref<!tpu.dma_semaphore, #tpu.memory_space<semaphore_mem>>)
    %dma_wait3A_49 = arith.constant 16384 : i32
    %dma_wait3A_50 = tpu.memref_slice %arg12[%dma_wait3A_49] : memref<32768xf32, #tpu.memory_space<vmem>> -> memref<16384xf32, #tpu.memory_space<vmem>>
    %dma_wait3A_51 = tpu.memref_slice %arg2[%add3A_15] : memref<1048576xf32, #tpu.memory_space<hbm>> -> memref<16384xf32, #tpu.memory_space<hbm>>
    %dma_wait3A_52 = arith.constant 16384 : i32
    %dma_wait3A_53 = tpu.memref_slice %arg12[%dma_wait3A_52] : memref<32768xf32, #tpu.memory_space<vmem>> -> memref<16384xf32, #tpu.memory_space<vmem>>
    %dma_wait3A_54 = tpu.memref_slice %arg2[%add3A_15] : memref<1048576xf32, #tpu.memory_space<hbm>> -> memref<16384xf32, #tpu.memory_space<hbm>>
    tpu.wait_dma2 semaphore(%arg23 : memref<!tpu.dma_semaphore, #tpu.memory_space<semaphore_mem>>) src(%dma_wait3A_54 : memref<16384xf32, #tpu.memory_space<hbm>>) dst(%dma_wait3A_53 : memref<16384xf32, #tpu.memory_space<vmem>>)
    %dma_wait3A_55 = arith.constant 16384 : i32
    %dma_wait3A_56 = tpu.memref_slice %arg13[%dma_wait3A_55] : memref<32768xf32, #tpu.memory_space<vmem>> -> memref<16384xf32, #tpu.memory_space<vmem>>
    %dma_wait3A_57 = tpu.memref_slice %arg3[%add3A_23] : memref<1048576xf32, #tpu.memory_space<hbm>> -> memref<16384xf32, #tpu.memory_space<hbm>>
    %dma_wait3A_58 = arith.constant 16384 : i32
    %dma_wait3A_59 = tpu.memref_slice %arg13[%dma_wait3A_58] : memref<32768xf32, #tpu.memory_space<vmem>> -> memref<16384xf32, #tpu.memory_space<vmem>>
    %dma_wait3A_60 = tpu.memref_slice %arg3[%add3A_23] : memref<1048576xf32, #tpu.memory_space<hbm>> -> memref<16384xf32, #tpu.memory_space<hbm>>
    tpu.wait_dma2 semaphore(%arg23 : memref<!tpu.dma_semaphore, #tpu.memory_space<semaphore_mem>>) src(%dma_wait3A_60 : memref<16384xf32, #tpu.memory_space<hbm>>) dst(%dma_wait3A_59 : memref<16384xf32, #tpu.memory_space<vmem>>)
    %parallel_loop3A_61 = arith.constant 16384 : i32
    %parallel_loop3A_62 = arith.constant 32768 : i32
    %parallel_loop3A_63 = arith.constant 16 : i32
    scf.for %parallel_loop3A_84 = %parallel_loop3A_61 to %parallel_loop3A_62 step %parallel_loop3A_63  : i32 {
      %parallel_loop3A_85 = arith.index_cast %parallel_loop3A_84 : i32 to index
      %parallel_loop3A_86 = tpu.vector_load %arg12[%parallel_loop3A_85] {strides = array<i32>} : memref<32768xf32, #tpu.memory_space<vmem>>, vector<16xf32>,
      %parallel_loop3A_87 = arith.index_cast %parallel_loop3A_84 : i32 to index
      %parallel_loop3A_88 = tpu.vector_load %arg13[%parallel_loop3A_87] {strides = array<i32>} : memref<32768xf32, #tpu.memory_space<vmem>>, vector<16xf32>,
      %parallel_loop3A_89 = arith.constant 5.120000e+02 : f32
      %parallel_loop3A_90 = vector.broadcast %parallel_loop3A_89 : f32 to vector<16xf32>
      %parallel_loop3A_91 = arith.mulf %parallel_loop3A_86, %parallel_loop3A_90 : vector<16xf32>
      %parallel_loop3A_92 = arith.fptosi %parallel_loop3A_91 : vector<16xf32> to vector<16xi32>
      %parallel_loop3A_93 = tpu.vector_load_idx %arg16[%parallel_loop3A_92] : memref<640xi32, #tpu.memory_space<vmem>>[vector<16xi32>], vector<16xi32>,
      %parallel_loop3A_94 = tpu.vector_load_idx %arg17[%parallel_loop3A_92] : memref<640xf32, #tpu.memory_space<vmem>>[vector<16xi32>], vector<16xf32>,
      %parallel_loop3A_95 = tpu.vector_load_idx %arg18[%parallel_loop3A_92] : memref<640xf32, #tpu.memory_space<vmem>>[vector<16xi32>], vector<16xf32>,
      %parallel_loop3A_96 = arith.constant 255 : i32
      %parallel_loop3A_97 = vector.broadcast %parallel_loop3A_96 : i32 to vector<16xi32>
      %parallel_loop3A_98 = arith.andi %parallel_loop3A_93, %parallel_loop3A_97 : vector<16xi32>
      %parallel_loop3A_99 = arith.cmpf olt, %parallel_loop3A_94, %parallel_loop3A_86 : vector<16xf32>
      %parallel_loop3A_100 = arith.constant 1 : i32
      %parallel_loop3A_101 = vector.broadcast %parallel_loop3A_100 : i32 to vector<16xi32>
      %parallel_loop3A_102 = arith.constant 0 : i32
      %parallel_loop3A_103 = vector.broadcast %parallel_loop3A_102 : i32 to vector<16xi32>
      %parallel_loop3A_104 = arith.select %parallel_loop3A_99, %parallel_loop3A_101, %parallel_loop3A_103 : vector<16xi1>, vector<16xi32>
      %parallel_loop3A_105 = arith.addi %parallel_loop3A_98, %parallel_loop3A_104 : vector<16xi32>
      %parallel_loop3A_106 = arith.constant 8 : i32
      %parallel_loop3A_107 = vector.broadcast %parallel_loop3A_106 : i32 to vector<16xi32>
      %parallel_loop3A_108 = arith.shrsi %parallel_loop3A_93, %parallel_loop3A_107 : vector<16xi32>
      %parallel_loop3A_109 = arith.cmpf ole, %parallel_loop3A_95, %parallel_loop3A_86 : vector<16xf32>
      %parallel_loop3A_110 = arith.constant 1 : i32
      %parallel_loop3A_111 = vector.broadcast %parallel_loop3A_110 : i32 to vector<16xi32>
      %parallel_loop3A_112 = arith.constant 0 : i32
      %parallel_loop3A_113 = vector.broadcast %parallel_loop3A_112 : i32 to vector<16xi32>
      %parallel_loop3A_114 = arith.select %parallel_loop3A_109, %parallel_loop3A_111, %parallel_loop3A_113 : vector<16xi1>, vector<16xi32>
      %parallel_loop3A_115 = arith.addi %parallel_loop3A_108, %parallel_loop3A_114 : vector<16xi32>
      %parallel_loop3A_116 = arith.constant 5.120000e+02 : f32
      %parallel_loop3A_117 = vector.broadcast %parallel_loop3A_116 : f32 to vector<16xf32>
      %parallel_loop3A_118 = arith.mulf %parallel_loop3A_88, %parallel_loop3A_117 : vector<16xf32>
      %parallel_loop3A_119 = arith.fptosi %parallel_loop3A_118 : vector<16xf32> to vector<16xi32>
      %parallel_loop3A_120 = tpu.vector_load_idx %arg19[%parallel_loop3A_119] : memref<640xi32, #tpu.memory_space<vmem>>[vector<16xi32>], vector<16xi32>,
      %parallel_loop3A_121 = tpu.vector_load_idx %arg20[%parallel_loop3A_119] : memref<640xf32, #tpu.memory_space<vmem>>[vector<16xi32>], vector<16xf32>,
      %parallel_loop3A_122 = tpu.vector_load_idx %arg21[%parallel_loop3A_119] : memref<640xf32, #tpu.memory_space<vmem>>[vector<16xi32>], vector<16xf32>,
      %parallel_loop3A_123 = arith.constant 255 : i32
      %parallel_loop3A_124 = vector.broadcast %parallel_loop3A_123 : i32 to vector<16xi32>
      %parallel_loop3A_125 = arith.andi %parallel_loop3A_120, %parallel_loop3A_124 : vector<16xi32>
      %parallel_loop3A_126 = arith.cmpf olt, %parallel_loop3A_121, %parallel_loop3A_88 : vector<16xf32>
      %parallel_loop3A_127 = arith.constant 1 : i32
      %parallel_loop3A_128 = vector.broadcast %parallel_loop3A_127 : i32 to vector<16xi32>
      %parallel_loop3A_129 = arith.constant 0 : i32
      %parallel_loop3A_130 = vector.broadcast %parallel_loop3A_129 : i32 to vector<16xi32>
      %parallel_loop3A_131 = arith.select %parallel_loop3A_126, %parallel_loop3A_128, %parallel_loop3A_130 : vector<16xi1>, vector<16xi32>
      %parallel_loop3A_132 = arith.addi %parallel_loop3A_125, %parallel_loop3A_131 : vector<16xi32>
      %parallel_loop3A_133 = arith.constant 8 : i32
      %parallel_loop3A_134 = vector.broadcast %parallel_loop3A_133 : i32 to vector<16xi32>
      %parallel_loop3A_135 = arith.shrsi %parallel_loop3A_120, %parallel_loop3A_134 : vector<16xi32>
      %parallel_loop3A_136 = arith.cmpf ole, %parallel_loop3A_122, %parallel_loop3A_88 : vector<16xf32>
      %parallel_loop3A_137 = arith.constant 1 : i32
      %parallel_loop3A_138 = vector.broadcast %parallel_loop3A_137 : i32 to vector<16xi32>
      %parallel_loop3A_139 = arith.constant 0 : i32
      %parallel_loop3A_140 = vector.broadcast %parallel_loop3A_139 : i32 to vector<16xi32>
      %parallel_loop3A_141 = arith.select %parallel_loop3A_136, %parallel_loop3A_138, %parallel_loop3A_140 : vector<16xi1>, vector<16xi32>
      %parallel_loop3A_142 = arith.addi %parallel_loop3A_135, %parallel_loop3A_141 : vector<16xi32>
      %parallel_loop3A_143 = arith.subi %parallel_loop3A_115, %parallel_loop3A_105 : vector<16xi32>
      %parallel_loop3A_144 = arith.constant 13 : i32
      %parallel_loop3A_145 = vector.broadcast %parallel_loop3A_144 : i32 to vector<16xi32>
      %parallel_loop3A_146 = arith.shli %parallel_loop3A_143, %parallel_loop3A_145 : vector<16xi32>
      %parallel_loop3A_147 = arith.subi %parallel_loop3A_142, %parallel_loop3A_132 : vector<16xi32>
      %parallel_loop3A_148 = arith.constant 12 : i32
      %parallel_loop3A_149 = vector.broadcast %parallel_loop3A_148 : i32 to vector<16xi32>
      %parallel_loop3A_150 = arith.shli %parallel_loop3A_147, %parallel_loop3A_149 : vector<16xi32>
      %parallel_loop3A_151 = arith.addi %parallel_loop3A_146, %parallel_loop3A_150 : vector<16xi32>
      %parallel_loop3A_152 = arith.constant 6 : i32
      %parallel_loop3A_153 = vector.broadcast %parallel_loop3A_152 : i32 to vector<16xi32>
      %parallel_loop3A_154 = arith.shli %parallel_loop3A_105, %parallel_loop3A_153 : vector<16xi32>
      %parallel_loop3A_155 = arith.addi %parallel_loop3A_151, %parallel_loop3A_154 : vector<16xi32>
      %parallel_loop3A_156 = arith.addi %parallel_loop3A_155, %parallel_loop3A_132 : vector<16xi32>
      %parallel_loop3A_157 = arith.constant 12288 : i32
      %parallel_loop3A_158 = vector.broadcast %parallel_loop3A_157 : i32 to vector<16xi32>
      %parallel_loop3A_159 = arith.subi %parallel_loop3A_156, %parallel_loop3A_158 : vector<16xi32>
      %parallel_loop3A_160 = tpu.vector_load_idx %arg15[%parallel_loop3A_159] : memref<16384xf32, #tpu.memory_space<vmem>>[vector<16xi32>], vector<16xf32>,
      %parallel_loop3A_161 = arith.index_cast %parallel_loop3A_84 : i32 to index
      %parallel_loop3A_162 = tpu.vector_load %arg14[%parallel_loop3A_161] {strides = array<i32>} : memref<32768xf32, #tpu.memory_space<vmem>>, vector<16xf32>,
      tpu.vector_store %arg14[%parallel_loop3A_161], %parallel_loop3A_160 {strides = array<i32>} : memref<32768xf32, #tpu.memory_space<vmem>>, vector<16xf32>,
    } {sc.loop_unroll_factor = 8 : i64, sc.parallel_access}
    %add3A_64 = arith.constant 16384 : i32
    %add3A_65 = arith.addi %mul3A_2, %add3A_64 : i32
    %dma_start3A_66 = arith.constant 16384 : i32
    %dma_start3A_67 = tpu.memref_slice %arg14[%dma_start3A_66] : memref<32768xf32, #tpu.memory_space<vmem>> -> memref<16384xf32, #tpu.memory_space<vmem>>
    %dma_start3A_68 = tpu.memref_slice %arg11[%add3A_65] : memref<1048576xf32, #tpu.memory_space<hbm>> -> memref<16384xf32, #tpu.memory_space<hbm>>
    %dma_start3A_69 = tpu.memref_slice %arg11[%add3A_65] : memref<1048576xf32, #tpu.memory_space<hbm>> -> memref<16384xf32, #tpu.memory_space<hbm>>
    %dma_start3A_70 = arith.constant 16384 : i32
    %dma_start3A_71 = tpu.memref_slice %arg14[%dma_start3A_70] : memref<32768xf32, #tpu.memory_space<vmem>> -> memref<16384xf32, #tpu.memory_space<vmem>>
    tpu.enqueue_dma source(%dma_start3A_71 : memref<16384xf32, #tpu.memory_space<vmem>>) target(%dma_start3A_69 : memref<16384xf32, #tpu.memory_space<hbm>>) target_semaphore(%arg24 : memref<!tpu.dma_semaphore, #tpu.memory_space<semaphore_mem>>)
    %dma_wait3A_72 = arith.constant 0 : i32
    %dma_wait3A_73 = tpu.memref_slice %arg14[%dma_wait3A_72] : memref<32768xf32, #tpu.memory_space<vmem>> -> memref<16384xf32, #tpu.memory_space<vmem>>
    %dma_wait3A_74 = tpu.memref_slice %arg11[%mul3A_2] : memref<1048576xf32, #tpu.memory_space<hbm>> -> memref<16384xf32, #tpu.memory_space<hbm>>
    %dma_wait3A_75 = tpu.memref_slice %arg11[%mul3A_2] : memref<1048576xf32, #tpu.memory_space<hbm>> -> memref<16384xf32, #tpu.memory_space<hbm>>
    %dma_wait3A_76 = arith.constant 0 : i32
    %dma_wait3A_77 = tpu.memref_slice %arg14[%dma_wait3A_76] : memref<32768xf32, #tpu.memory_space<vmem>> -> memref<16384xf32, #tpu.memory_space<vmem>>
    tpu.wait_dma2 semaphore(%arg24 : memref<!tpu.dma_semaphore, #tpu.memory_space<semaphore_mem>>) src(%dma_wait3A_77 : memref<16384xf32, #tpu.memory_space<vmem>>) dst(%dma_wait3A_75 : memref<16384xf32, #tpu.memory_space<hbm>>)
    %dma_wait3A_78 = arith.constant 16384 : i32
    %dma_wait3A_79 = tpu.memref_slice %arg14[%dma_wait3A_78] : memref<32768xf32, #tpu.memory_space<vmem>> -> memref<16384xf32, #tpu.memory_space<vmem>>
    %dma_wait3A_80 = tpu.memref_slice %arg11[%add3A_65] : memref<1048576xf32, #tpu.memory_space<hbm>> -> memref<16384xf32, #tpu.memory_space<hbm>>
    %dma_wait3A_81 = tpu.memref_slice %arg11[%add3A_65] : memref<1048576xf32, #tpu.memory_space<hbm>> -> memref<16384xf32, #tpu.memory_space<hbm>>
    %dma_wait3A_82 = arith.constant 16384 : i32
    %dma_wait3A_83 = tpu.memref_slice %arg14[%dma_wait3A_82] : memref<32768xf32, #tpu.memory_space<vmem>> -> memref<16384xf32, #tpu.memory_space<vmem>>
    tpu.wait_dma2 semaphore(%arg24 : memref<!tpu.dma_semaphore, #tpu.memory_space<semaphore_mem>>) src(%dma_wait3A_83 : memref<16384xf32, #tpu.memory_space<vmem>>) dst(%dma_wait3A_81 : memref<16384xf32, #tpu.memory_space<hbm>>)
    return
  }
}

module attributes {stable_mosaic.version = 14 : i64} {
  func.func @_tab_body(%arg0: memref<64x64xf32, #tpu.memory_space<vmem>>, %arg1: memref<1x128xf32, #tpu.memory_space<vmem>>, %arg2: memref<1x128xf32, #tpu.memory_space<vmem>>, %arg3: memref<1x128xf32, #tpu.memory_space<vmem>>, %arg4: memref<1x128xf32, #tpu.memory_space<vmem>>, %arg5: memref<4x64x64xf32, #tpu.memory_space<vmem>>, %arg6: memref<640xi32, #tpu.memory_space<vmem>>, %arg7: memref<640xf32, #tpu.memory_space<vmem>>, %arg8: memref<640xf32, #tpu.memory_space<vmem>>, %arg9: memref<640xi32, #tpu.memory_space<vmem>>, %arg10: memref<640xf32, #tpu.memory_space<vmem>>, %arg11: memref<640xf32, #tpu.memory_space<vmem>>) attributes {dimension_semantics = [], scalar_prefetch = 0 : i64, scratch_operands = 0 : i64, tpu.core_type = #tpu.core_type<tc>} {
    %get3A = arith.constant 0 : index
    %get3A_0 = arith.constant 0 : index
    %get3A_1 = vector.load %arg0[%get3A, %get3A_0] : memref<64x64xf32, #tpu.memory_space<vmem>>, vector<64x64xf32>
    %iota3A = tpu.iota {dimensions = array<i32: 0>} : vector<66x64xi32>
    %iota3A_2 = tpu.iota {dimensions = array<i32: 1>} : vector<66x64xi32>
    %lt3A = arith.cmpi slt, %iota3A_2, %iota3A : vector<66x64xi32>
    %convert_element_type3A = arith.extui %lt3A : vector<66x64xi1> to vector<66x64xi32>
    %convert_element_type3A_3 = arith.sitofp %convert_element_type3A : vector<66x64xi32> to vector<66x64xf32>
    %dot_general3A = arith.constant dense<0.000000e+00> : vector<66x64xf32>
    %dot_general3A_4 = tpu.matmul %convert_element_type3A_3, %get3A_1, %dot_general3A {dimension_numbers = #tpu.dot_dimension_numbers<[1], [0], [0], [1], [0, 0, 1, 1], [], []>, precision = #tpu.contract_precision<fp32>, transpose_lhs_hint = false} : vector<66x64xf32>, vector<64x64xf32>, vector<66x64xf32> -> vector<66x64xf32>
    %dot_general3A_5 = arith.constant dense<0.000000e+00> : vector<66x66xf32>
    %dot_general3A_6 = tpu.matmul %dot_general3A_4, %convert_element_type3A_3, %dot_general3A_5 {dimension_numbers = #tpu.dot_dimension_numbers<[1], [1], [0], [0], [0, 0, 1, 0], [], []>, precision = #tpu.contract_precision<fp32>, transpose_lhs_hint = false} : vector<66x64xf32>, vector<66x64xf32>, vector<66x66xf32> -> vector<66x66xf32>
    %slice3A = vector.extract_strided_slice %dot_general3A_6 {offsets = [1, 1], sizes = [64, 64], strides = [1, 1]} : vector<66x66xf32> to vector<64x64xf32>
    %slice3A_7 = vector.extract_strided_slice %dot_general3A_6 {offsets = [0, 1], sizes = [64, 64], strides = [1, 1]} : vector<66x66xf32> to vector<64x64xf32>
    %sub3A = arith.subf %slice3A, %slice3A_7 : vector<64x64xf32>
    %slice3A_8 = vector.extract_strided_slice %dot_general3A_6 {offsets = [1, 0], sizes = [64, 64], strides = [1, 1]} : vector<66x66xf32> to vector<64x64xf32>
    %sub3A_9 = arith.subf %sub3A, %slice3A_8 : vector<64x64xf32>
    %slice3A_10 = vector.extract_strided_slice %dot_general3A_6 {offsets = [0, 0], sizes = [64, 64], strides = [1, 1]} : vector<66x66xf32> to vector<64x64xf32>
    %add3A = arith.addf %sub3A_9, %slice3A_10 : vector<64x64xf32>
    %swap3A = arith.constant 0 : index
    %swap3A_11 = arith.constant 0 : index
    %swap3A_12 = arith.constant 0 : index
    %swap3A_13 = vector.load %arg5[%swap3A, %swap3A_11, %swap3A_12] : memref<4x64x64xf32, #tpu.memory_space<vmem>>, vector<1x64x64xf32>
    %swap3A_14 = vector.shape_cast %swap3A_13 : vector<1x64x64xf32> to vector<64x64xf32>
    %swap3A_15 = vector.shape_cast %add3A : vector<64x64xf32> to vector<1x64x64xf32>
    tpu.vector_store %arg5[%swap3A, %swap3A_11, %swap3A_12], %swap3A_15 {strides = array<i32>} : memref<4x64x64xf32, #tpu.memory_space<vmem>>, vector<1x64x64xf32>,
    %slice3A_16 = vector.extract_strided_slice %dot_general3A_6 {offsets = [1, 2], sizes = [64, 64], strides = [1, 1]} : vector<66x66xf32> to vector<64x64xf32>
    %slice3A_17 = vector.extract_strided_slice %dot_general3A_6 {offsets = [0, 2], sizes = [64, 64], strides = [1, 1]} : vector<66x66xf32> to vector<64x64xf32>
    %sub3A_18 = arith.subf %slice3A_16, %slice3A_17 : vector<64x64xf32>
    %slice3A_19 = vector.extract_strided_slice %dot_general3A_6 {offsets = [1, 0], sizes = [64, 64], strides = [1, 1]} : vector<66x66xf32> to vector<64x64xf32>
    %sub3A_20 = arith.subf %sub3A_18, %slice3A_19 : vector<64x64xf32>
    %slice3A_21 = vector.extract_strided_slice %dot_general3A_6 {offsets = [0, 0], sizes = [64, 64], strides = [1, 1]} : vector<66x66xf32> to vector<64x64xf32>
    %add3A_22 = arith.addf %sub3A_20, %slice3A_21 : vector<64x64xf32>
    %swap3A_23 = arith.constant 1 : index
    %swap3A_24 = arith.constant 0 : index
    %swap3A_25 = arith.constant 0 : index
    %swap3A_26 = vector.load %arg5[%swap3A_23, %swap3A_24, %swap3A_25] : memref<4x64x64xf32, #tpu.memory_space<vmem>>, vector<1x64x64xf32>
    %swap3A_27 = vector.shape_cast %swap3A_26 : vector<1x64x64xf32> to vector<64x64xf32>
    %swap3A_28 = vector.shape_cast %add3A_22 : vector<64x64xf32> to vector<1x64x64xf32>
    tpu.vector_store %arg5[%swap3A_23, %swap3A_24, %swap3A_25], %swap3A_28 {strides = array<i32>} : memref<4x64x64xf32, #tpu.memory_space<vmem>>, vector<1x64x64xf32>,
    %slice3A_29 = vector.extract_strided_slice %dot_general3A_6 {offsets = [2, 1], sizes = [64, 64], strides = [1, 1]} : vector<66x66xf32> to vector<64x64xf32>
    %slice3A_30 = vector.extract_strided_slice %dot_general3A_6 {offsets = [0, 1], sizes = [64, 64], strides = [1, 1]} : vector<66x66xf32> to vector<64x64xf32>
    %sub3A_31 = arith.subf %slice3A_29, %slice3A_30 : vector<64x64xf32>
    %slice3A_32 = vector.extract_strided_slice %dot_general3A_6 {offsets = [2, 0], sizes = [64, 64], strides = [1, 1]} : vector<66x66xf32> to vector<64x64xf32>
    %sub3A_33 = arith.subf %sub3A_31, %slice3A_32 : vector<64x64xf32>
    %slice3A_34 = vector.extract_strided_slice %dot_general3A_6 {offsets = [0, 0], sizes = [64, 64], strides = [1, 1]} : vector<66x66xf32> to vector<64x64xf32>
    %add3A_35 = arith.addf %sub3A_33, %slice3A_34 : vector<64x64xf32>
    %swap3A_36 = arith.constant 2 : index
    %swap3A_37 = arith.constant 0 : index
    %swap3A_38 = arith.constant 0 : index
    %swap3A_39 = vector.load %arg5[%swap3A_36, %swap3A_37, %swap3A_38] : memref<4x64x64xf32, #tpu.memory_space<vmem>>, vector<1x64x64xf32>
    %swap3A_40 = vector.shape_cast %swap3A_39 : vector<1x64x64xf32> to vector<64x64xf32>
    %swap3A_41 = vector.shape_cast %add3A_35 : vector<64x64xf32> to vector<1x64x64xf32>
    tpu.vector_store %arg5[%swap3A_36, %swap3A_37, %swap3A_38], %swap3A_41 {strides = array<i32>} : memref<4x64x64xf32, #tpu.memory_space<vmem>>, vector<1x64x64xf32>,
    %slice3A_42 = vector.extract_strided_slice %dot_general3A_6 {offsets = [2, 2], sizes = [64, 64], strides = [1, 1]} : vector<66x66xf32> to vector<64x64xf32>
    %slice3A_43 = vector.extract_strided_slice %dot_general3A_6 {offsets = [0, 2], sizes = [64, 64], strides = [1, 1]} : vector<66x66xf32> to vector<64x64xf32>
    %sub3A_44 = arith.subf %slice3A_42, %slice3A_43 : vector<64x64xf32>
    %slice3A_45 = vector.extract_strided_slice %dot_general3A_6 {offsets = [2, 0], sizes = [64, 64], strides = [1, 1]} : vector<66x66xf32> to vector<64x64xf32>
    %sub3A_46 = arith.subf %sub3A_44, %slice3A_45 : vector<64x64xf32>
    %slice3A_47 = vector.extract_strided_slice %dot_general3A_6 {offsets = [0, 0], sizes = [64, 64], strides = [1, 1]} : vector<66x66xf32> to vector<64x64xf32>
    %add3A_48 = arith.addf %sub3A_46, %slice3A_47 : vector<64x64xf32>
    %swap3A_49 = arith.constant 3 : index
    %swap3A_50 = arith.constant 0 : index
    %swap3A_51 = arith.constant 0 : index
    %swap3A_52 = vector.load %arg5[%swap3A_49, %swap3A_50, %swap3A_51] : memref<4x64x64xf32, #tpu.memory_space<vmem>>, vector<1x64x64xf32>
    %swap3A_53 = vector.shape_cast %swap3A_52 : vector<1x64x64xf32> to vector<64x64xf32>
    %swap3A_54 = vector.shape_cast %add3A_48 : vector<64x64xf32> to vector<1x64x64xf32>
    tpu.vector_store %arg5[%swap3A_49, %swap3A_50, %swap3A_51], %swap3A_54 {strides = array<i32>} : memref<4x64x64xf32, #tpu.memory_space<vmem>>, vector<1x64x64xf32>,
    %iota3A_55 = tpu.iota {dimensions = array<i32: 0>} : vector<640x128xi32>
    %convert_element_type3A_56 = arith.sitofp %iota3A_55 : vector<640x128xi32> to vector<640x128xf32>
    %sub3A_57 = arith.constant 2.500000e-01 : f32
    %sub3A_58 = vector.broadcast %sub3A_57 : f32 to vector<640x128xf32>
    %sub3A_59 = arith.subf %convert_element_type3A_56, %sub3A_58 : vector<640x128xf32>
    %mul3A = arith.constant 0.001953125 : f32
    %mul3A_60 = vector.broadcast %mul3A : f32 to vector<640x128xf32>
    %mul3A_61 = arith.mulf %sub3A_59, %mul3A_60 : vector<640x128xf32>
    %get3A_62 = arith.constant 0 : index
    %get3A_63 = arith.constant 0 : index
    %get3A_64 = vector.load %arg1[%get3A_62, %get3A_63] : memref<1x128xf32, #tpu.memory_space<vmem>>, vector<1x128xf32>
    %get3A_65 = arith.constant 0 : index
    %get3A_66 = arith.constant 0 : index
    %get3A_67 = vector.load %arg2[%get3A_65, %get3A_66] : memref<1x128xf32, #tpu.memory_space<vmem>>, vector<1x128xf32>
    %lt3A_68 = vector.broadcast %get3A_64 : vector<1x128xf32> to vector<640x128xf32>
    %lt3A_69 = arith.cmpf olt, %lt3A_68, %mul3A_61 : vector<640x128xf32>
    %convert_element_type3A_70 = arith.extui %lt3A_69 : vector<640x128xi1> to vector<640x128xi32>
    %reduce_sum3A = arith.constant dense<0> : vector<640xi32>
    %reduce_sum3A_71 = vector.multi_reduction <add>, %convert_element_type3A_70, %reduce_sum3A [1] : vector<640x128xi32> to vector<640xi32>
    %ge3A = vector.broadcast %get3A_64 : vector<1x128xf32> to vector<640x128xf32>
    %ge3A_72 = arith.cmpf oge, %ge3A, %mul3A_61 : vector<640x128xf32>
    %jit3A = arith.constant 3.000000e+38 : f32
    %broadcast_in_dim3A = vector.shape_cast %get3A_64 : vector<1x128xf32> to vector<1x128xf32>
    %broadcast_in_dim3A_73 = vector.broadcast %broadcast_in_dim3A : vector<1x128xf32> to vector<640x128xf32>
    %broadcast_in_dim3A_74 = vector.broadcast %jit3A : f32 to vector<640x128xf32>
    %select_n3A = arith.select %ge3A_72, %broadcast_in_dim3A_73, %broadcast_in_dim3A_74 : vector<640x128xi1>, vector<640x128xf32>
    %reduce_min3A = arith.constant dense<0x7F800000> : vector<640xf32>
    %reduce_min3A_75 = vector.multi_reduction <minimumf>, %select_n3A, %reduce_min3A [1] : vector<640x128xf32> to vector<640xf32>
    %le3A = vector.broadcast %get3A_67 : vector<1x128xf32> to vector<640x128xf32>
    %le3A_76 = arith.cmpf ole, %le3A, %mul3A_61 : vector<640x128xf32>
    %convert_element_type3A_77 = arith.extui %le3A_76 : vector<640x128xi1> to vector<640x128xi32>
    %reduce_sum3A_78 = arith.constant dense<0> : vector<640xi32>
    %reduce_sum3A_79 = vector.multi_reduction <add>, %convert_element_type3A_77, %reduce_sum3A_78 [1] : vector<640x128xi32> to vector<640xi32>
    %gt3A = vector.broadcast %get3A_67 : vector<1x128xf32> to vector<640x128xf32>
    %gt3A_80 = arith.cmpf ogt, %gt3A, %mul3A_61 : vector<640x128xf32>
    %jit3A_81 = arith.constant 3.000000e+38 : f32
    %broadcast_in_dim3A_82 = vector.shape_cast %get3A_67 : vector<1x128xf32> to vector<1x128xf32>
    %broadcast_in_dim3A_83 = vector.broadcast %broadcast_in_dim3A_82 : vector<1x128xf32> to vector<640x128xf32>
    %broadcast_in_dim3A_84 = vector.broadcast %jit3A_81 : f32 to vector<640x128xf32>
    %select_n3A_85 = arith.select %gt3A_80, %broadcast_in_dim3A_83, %broadcast_in_dim3A_84 : vector<640x128xi1>, vector<640x128xf32>
    %reduce_min3A_86 = arith.constant dense<0x7F800000> : vector<640xf32>
    %reduce_min3A_87 = vector.multi_reduction <minimumf>, %select_n3A_85, %reduce_min3A_86 [1] : vector<640x128xf32> to vector<640xf32>
    %sub3A_88 = arith.constant 1 : i32
    %sub3A_89 = vector.broadcast %sub3A_88 : i32 to vector<640xi32>
    %sub3A_90 = arith.subi %reduce_sum3A_79, %sub3A_89 : vector<640xi32>
    %mul3A_91 = arith.constant 256 : i32
    %mul3A_92 = vector.broadcast %mul3A_91 : i32 to vector<640xi32>
    %mul3A_93 = arith.muli %sub3A_90, %mul3A_92 : vector<640xi32>
    %add3A_94 = arith.addi %reduce_sum3A_71, %mul3A_93 : vector<640xi32>
    %swap3A_95 = arith.constant 0 : index
    %swap3A_96 = vector.load %arg6[%swap3A_95] : memref<640xi32, #tpu.memory_space<vmem>>, vector<640xi32>
    tpu.vector_store %arg6[%swap3A_95], %add3A_94 {strides = array<i32>} : memref<640xi32, #tpu.memory_space<vmem>>, vector<640xi32>,
    %swap3A_97 = arith.constant 0 : index
    %swap3A_98 = vector.load %arg7[%swap3A_97] : memref<640xf32, #tpu.memory_space<vmem>>, vector<640xf32>
    tpu.vector_store %arg7[%swap3A_97], %reduce_min3A_75 {strides = array<i32>} : memref<640xf32, #tpu.memory_space<vmem>>, vector<640xf32>,
    %swap3A_99 = arith.constant 0 : index
    %swap3A_100 = vector.load %arg8[%swap3A_99] : memref<640xf32, #tpu.memory_space<vmem>>, vector<640xf32>
    tpu.vector_store %arg8[%swap3A_99], %reduce_min3A_87 {strides = array<i32>} : memref<640xf32, #tpu.memory_space<vmem>>, vector<640xf32>,
    %get3A_101 = arith.constant 0 : index
    %get3A_102 = arith.constant 0 : index
    %get3A_103 = vector.load %arg3[%get3A_101, %get3A_102] : memref<1x128xf32, #tpu.memory_space<vmem>>, vector<1x128xf32>
    %get3A_104 = arith.constant 0 : index
    %get3A_105 = arith.constant 0 : index
    %get3A_106 = vector.load %arg4[%get3A_104, %get3A_105] : memref<1x128xf32, #tpu.memory_space<vmem>>, vector<1x128xf32>
    %lt3A_107 = vector.broadcast %get3A_103 : vector<1x128xf32> to vector<640x128xf32>
    %lt3A_108 = arith.cmpf olt, %lt3A_107, %mul3A_61 : vector<640x128xf32>
    %convert_element_type3A_109 = arith.extui %lt3A_108 : vector<640x128xi1> to vector<640x128xi32>
    %reduce_sum3A_110 = arith.constant dense<0> : vector<640xi32>
    %reduce_sum3A_111 = vector.multi_reduction <add>, %convert_element_type3A_109, %reduce_sum3A_110 [1] : vector<640x128xi32> to vector<640xi32>
    %ge3A_112 = vector.broadcast %get3A_103 : vector<1x128xf32> to vector<640x128xf32>
    %ge3A_113 = arith.cmpf oge, %ge3A_112, %mul3A_61 : vector<640x128xf32>
    %jit3A_114 = arith.constant 3.000000e+38 : f32
    %broadcast_in_dim3A_115 = vector.shape_cast %get3A_103 : vector<1x128xf32> to vector<1x128xf32>
    %broadcast_in_dim3A_116 = vector.broadcast %broadcast_in_dim3A_115 : vector<1x128xf32> to vector<640x128xf32>
    %broadcast_in_dim3A_117 = vector.broadcast %jit3A_114 : f32 to vector<640x128xf32>
    %select_n3A_118 = arith.select %ge3A_113, %broadcast_in_dim3A_116, %broadcast_in_dim3A_117 : vector<640x128xi1>, vector<640x128xf32>
    %reduce_min3A_119 = arith.constant dense<0x7F800000> : vector<640xf32>
    %reduce_min3A_120 = vector.multi_reduction <minimumf>, %select_n3A_118, %reduce_min3A_119 [1] : vector<640x128xf32> to vector<640xf32>
    %le3A_121 = vector.broadcast %get3A_106 : vector<1x128xf32> to vector<640x128xf32>
    %le3A_122 = arith.cmpf ole, %le3A_121, %mul3A_61 : vector<640x128xf32>
    %convert_element_type3A_123 = arith.extui %le3A_122 : vector<640x128xi1> to vector<640x128xi32>
    %reduce_sum3A_124 = arith.constant dense<0> : vector<640xi32>
    %reduce_sum3A_125 = vector.multi_reduction <add>, %convert_element_type3A_123, %reduce_sum3A_124 [1] : vector<640x128xi32> to vector<640xi32>
    %gt3A_126 = vector.broadcast %get3A_106 : vector<1x128xf32> to vector<640x128xf32>
    %gt3A_127 = arith.cmpf ogt, %gt3A_126, %mul3A_61 : vector<640x128xf32>
    %jit3A_128 = arith.constant 3.000000e+38 : f32
    %broadcast_in_dim3A_129 = vector.shape_cast %get3A_106 : vector<1x128xf32> to vector<1x128xf32>
    %broadcast_in_dim3A_130 = vector.broadcast %broadcast_in_dim3A_129 : vector<1x128xf32> to vector<640x128xf32>
    %broadcast_in_dim3A_131 = vector.broadcast %jit3A_128 : f32 to vector<640x128xf32>
    %select_n3A_132 = arith.select %gt3A_127, %broadcast_in_dim3A_130, %broadcast_in_dim3A_131 : vector<640x128xi1>, vector<640x128xf32>
    %reduce_min3A_133 = arith.constant dense<0x7F800000> : vector<640xf32>
    %reduce_min3A_134 = vector.multi_reduction <minimumf>, %select_n3A_132, %reduce_min3A_133 [1] : vector<640x128xf32> to vector<640xf32>
    %sub3A_135 = arith.constant 1 : i32
    %sub3A_136 = vector.broadcast %sub3A_135 : i32 to vector<640xi32>
    %sub3A_137 = arith.subi %reduce_sum3A_125, %sub3A_136 : vector<640xi32>
    %mul3A_138 = arith.constant 256 : i32
    %mul3A_139 = vector.broadcast %mul3A_138 : i32 to vector<640xi32>
    %mul3A_140 = arith.muli %sub3A_137, %mul3A_139 : vector<640xi32>
    %add3A_141 = arith.addi %reduce_sum3A_111, %mul3A_140 : vector<640xi32>
    %swap3A_142 = arith.constant 0 : index
    %swap3A_143 = vector.load %arg9[%swap3A_142] : memref<640xi32, #tpu.memory_space<vmem>>, vector<640xi32>
    tpu.vector_store %arg9[%swap3A_142], %add3A_141 {strides = array<i32>} : memref<640xi32, #tpu.memory_space<vmem>>, vector<640xi32>,
    %swap3A_144 = arith.constant 0 : index
    %swap3A_145 = vector.load %arg10[%swap3A_144] : memref<640xf32, #tpu.memory_space<vmem>>, vector<640xf32>
    tpu.vector_store %arg10[%swap3A_144], %reduce_min3A_120 {strides = array<i32>} : memref<640xf32, #tpu.memory_space<vmem>>, vector<640xf32>,
    %swap3A_146 = arith.constant 0 : index
    %swap3A_147 = vector.load %arg11[%swap3A_146] : memref<640xf32, #tpu.memory_space<vmem>>, vector<640xf32>
    tpu.vector_store %arg11[%swap3A_146], %reduce_min3A_134 {strides = array<i32>} : memref<640xf32, #tpu.memory_space<vmem>>, vector<640xf32>,
    return
  }
}

</mosaic_0001>

<sc_bundles>
// kernel: kernel.4.cloned.1.call-start
scs
__scs_entry_jumppad:
0x0: {  	(pc) =	sbr.rel $0x88, $3  }
0x1: {  	(tag) =	ssettag $0x0;
	lr =	simm.s32 $0x1  }
0x2: {  	[smem:$0x3F9D] =	sst lr;
	_ =	strace $0xD0000000  }
0x3: {  	_ = 	snop  }
0x4: {  	_ = 	snop  }
0x5: {  	_ = 	snop  }
0x6: {  	_ = 	snop  }
0x7: {  	_ = 	snop  }
__scs_overlays_trampoline_lowered:
0x8: {  	[smem:$0x3FAC] =	sst s0  }
0x9: {  	[smem:$0x3FAD] =	sst s1  }
0xa: {  	[smem:$0x3FAE] =	sst s2  }
0xb: {  	[smem:$0x3FAF] =	sst s3  }
0xc: {  	[smem:$0x3FB0] =	sst s4  }
0xd: {  	[smem:$0x3FB1] =	sst s5  }
0xe: {  	[smem:$0x3FB2] =	sst s6  }
0xf: {  	[smem:$0x3FB3] =	sst s7  }
0x10: {  	[smem:$0x3FB4] =	sst s8  }
0x11: {  	[smem:$0x3FB5] =	sst s9;
	s0 =	simm.s32 @!p0 $0x0  }
0x12: {  	s1 =	sld [smem:$0x3F9B];
	s0 =	simm.s32 @p0 $0x1  }
0x13: {  	[smem:$0x3FB6] =	sst s0;
	s0 =	simm.s32 @!p1 $0x0  }
0x14: {  	s2 =	sld [smem:$0x3F9A];
	s0 =	simm.s32 @p1 $0x1  }
0x15: {  	[smem:$0x3FB7] =	sst s0;
	s0 =	simm.s32 @!p2 $0x0  }
0x16: {  	s3 =	sld [smem:$0x3FDB];
	s0 =	simm.s32 @p2 $0x1  }
0x17: {  	s4 =	simm.s32 $0x1BF5;
	[smem:$0x3FB9] =	sst s0  }
0x18: {  	s0 =	sld [smem:$0x3F9C];
	_ =	swait.ge [sflag:s4], $0x0  }
0x19: {  	s7 =	sld [smem:$0x3F9D]  }
0x1a: {  	s8 =	sadd.s32 $0xFFFFE003, lr  }
0x1b: {  	s9 =	sadd.s32 $0xFFFFFEF7, lr;
	s5 =	simm.s32 $0xFFFFFFFF;
	p2 =	slt.u32 s8, $0xFFFFF086  }
0x1c: {  	p1 =	slt.u32 s9, $0xF7A;
	s5 =	simm.s32 @!p2 $0x0  }
0x1d: {  	s5 =	simm.s32 @p1 $0x1;
	p0 =	seq.s32 s7, s2  }
0x1e: {  	s7 =	smul.u32 @!p0 $0xF7A, s2;
	p2 =	seq.s32 @!p0 s5, $0x0  }
0x1f: {  	s9 =	smul.u32 $0xF7A, s1;
	s8 =	simm.s32 @!p0 $0x1BF5;
	p2 =	por !p2, p0  }
0x20: {  	[sflag:s8] =	ssyncset.s32 @!p0 $0xFFFFF086;
	s6 =	sadd.s32 @!p0 s3, s7;
	s7 =	simm.s32 @!p0 $0x108  }
0x21: {  	s3 =	sadd.s32 s3, s9;
	s6 =	sadd.s32 @!p0 $0x88, s6;
	s7 =	simm.s32 @p2 $0x1082  }
0x22: {  	[simem:s7], [sflag:s8] =	dma.local @!p0 [hbm:s6], $0xF7A  }
0x23: {  	s9 =	sor.u32 $0xD0000000, s2;
	s6 =	simm.s32 $0x108;
	_ =	swait.ge @!p0 [sflag:s8], $0x0  }
0x24: {  	s3 =	sadd.s32 $0x88, s3;
	s6 =	simm.s32 @!p1 $0x1082;
	[sflag:s4] =	ssyncset.s32 $0xFFFFF086  }
0x25: {  	[simem:s6], [sflag:s4] =	dma.local [hbm:s3], $0xF7A  }
0x26: {  	[smem:$0x3F9D] =	sst s1;
	(tag) =	ssettag s2;
	_ =	strace s9  }
0x27: {  	s1 =	sld [smem:$0x3FAD]  }
0x28: {  	s2 =	sld [smem:$0x3FAE]  }
0x29: {  	s4 =	sld [smem:$0x3FB0]  }
0x2a: {  	p0 =	seq.s32 s5, $0x0;
	s5 =	sld [smem:$0x3FB1]  }
0x2b: {  	s6 =	sld [smem:$0x3FB2]  }
0x2c: {  	s7 =	sld [smem:$0x3FB3]  }
0x2d: {  	s3 =	simm.s32 $0x108;
	s8 =	sld [smem:$0x3FB4]  }
0x2e: {  	s3 =	simm.s32 @!p0 $0x1082;
	s9 =	sld [smem:$0x3FB5]  }
0x2f: {  	lr =	sadd.s32 s0, s3;
	s0 =	sld [smem:$0x3FAC]  }
0x30: {  	s3 =	sld [smem:$0x3FAF]  }
0x31: {  	[smem:$0x3FB8] =	sst s10  }
0x32: {  	s10 =	sld [smem:$0x3FB6];
	_ =	sdelay $0x3  }
0x33: {  	p0 =	seq.s32 s10, $0x1;
	s10 =	sld [smem:$0x3FB8];
	_ =	sdelay $0x3  }
0x34: {  	[smem:$0x3FB8] =	sst s10  }
0x35: {  	s10 =	sld [smem:$0x3FB7];
	_ =	sdelay $0x3  }
0x36: {  	p1 =	seq.s32 s10, $0x1;
	s10 =	sld [smem:$0x3FB8];
	_ =	sdelay $0x3  }
0x37: {  	[smem:$0x3FB8] =	sst s10  }
0x38: {  	s10 =	sld [smem:$0x3FB9]  }
0x39: {  	_ = 	snop;
	(pc) =	sbr.ind lr, $3  }
0x3a: {  	_ = 	snop  }
0x3b: {  	_ = 	snop  }
0x3c: {  	p2 =	seq.s32 s10, $0x1;
	s10 =	sld [smem:$0x3FB8]  }
0x3d: {  	_ =	shalt  }
0x3e: {  	_ =	shalt  }
0x3f: {  	_ =	shalt  }
0x40: {  	_ =	shalt  }
0x41: {  	_ =	shalt  }
0x42: {  	_ =	shalt  }
0x43: {  	_ =	shalt  }
0x44: {  	_ =	shalt  }
0x45: {  	_ =	shalt  }
0x46: {  	_ =	shalt  }
0x47: {  	_ =	shalt  }
0x48: {  	_ =	shalt  }
0x49: {  	_ =	shalt  }
0x4a: {  	_ =	shalt  }
0x4b: {  	_ =	shalt  }
0x4c: {  	_ =	shalt  }
0x4d: {  	_ =	shalt  }
0x4e: {  	_ =	shalt  }
0x4f: {  	_ =	shalt  }
0x50: {  	_ =	shalt  }
0x51: {  	_ =	shalt  }
0x52: {  	_ =	shalt  }
0x53: {  	_ =	shalt  }
0x54: {  	_ =	shalt  }
0x55: {  	_ =	shalt  }
0x56: {  	_ =	shalt  }
0x57: {  	_ =	shalt  }
0x58: {  	_ =	shalt  }
0x59: {  	_ =	shalt  }
0x5a: {  	_ =	shalt  }
0x5b: {  	_ =	shalt  }
0x5c: {  	_ =	shalt  }
0x5d: {  	_ =	shalt  }
0x5e: {  	_ =	shalt  }
0x5f: {  	_ =	shalt  }
0x60: {  	_ =	shalt  }
0x61: {  	_ =	shalt  }
0x62: {  	_ =	shalt  }
0x63: {  	_ =	shalt  }
0x64: {  	_ =	shalt  }
0x65: {  	_ =	shalt  }
0x66: {  	_ =	shalt  }
0x67: {  	_ =	shalt  }
0x68: {  	_ =	shalt  }
0x69: {  	_ =	shalt  }
0x6a: {  	_ =	shalt  }
0x6b: {  	_ =	shalt  }
0x6c: {  	_ =	shalt  }
0x6d: {  	_ =	shalt  }
0x6e: {  	_ =	shalt  }
0x6f: {  	_ =	shalt  }
0x70: {  	_ =	shalt  }
0x71: {  	_ =	shalt  }
0x72: {  	_ =	shalt  }
0x73: {  	_ =	shalt  }
0x74: {  	_ =	shalt  }
0x75: {  	_ =	shalt  }
0x76: {  	_ =	shalt  }
0x77: {  	_ =	shalt  }
0x78: {  	_ =	shalt  }
0x79: {  	_ =	shalt  }
0x7a: {  	_ =	shalt  }
0x7b: {  	_ =	shalt  }
0x7c: {  	_ =	shalt  }
0x7d: {  	_ =	shalt  }
0x7e: {  	_ =	shalt  }
0x7f: {  	_ =	shalt  }
0x80: {  	_ =	shalt  }
0x81: {  	_ =	shalt  }
0x82: {  	_ =	shalt  }
0x83: {  	_ =	shalt  }
0x84: {  	_ =	shalt  }
0x85: {  	_ =	shalt  }
0x86: {  	_ =	shalt  }
0x87: {  	_ =	shalt  }
.Lfunc_end0:
.L_simem_size_0:
called_computation_lowered:
.L_overlay_start_0:
0x88: {  	s2 =	sld [smem:$0x3FD9]  }
0x89: {  	s3 =	sld [smem:$0x3FFE];
	_ =	sdelay $0x1  }
0x8a: {  	s1 =	srdreg.scid  }
0x8b: {  	s0 =	sand.u32 $0x1, s1  }
0x8c: {  	s17 =	sshll.u32 s0, $0xA;
	s2 =	sadd.s32 s3, s2  }
0x8d: {  	s2 =	sadd.s32 s2, s17  }
0x8e: {  	[smem:$0x3FC4] =	sst s2  }
0x8f: {  	_ = 	snop  }
0x90: {  	s2 =	sld [smem:$0x3FD0];
	(tm) =	ssettm $0x1  }
0x91: {  	s18 =	sld [smem:$0x3FFB];
	_ =	sdelay $0x3  }
0x92: {  	_ =	strace s18  }
0x93: {  	s3 =	sld [smem:$0x3FFC];
	_ =	sdelay $0x3  }
0x94: {  	_ =	strace s3  }
0x95: {  	s3 =	sld [smem:$0x3FFD];
	_ =	sdelay $0x3  }
0x96: {  	_ =	strace s3  }
0x97: {  	_ =	strace $0x8FFFFFFF  }
0x98: {  	s19 =	sld [smem:$0x3FDB];
	_ =	sdelay $0x1  }
0x99: {  	s4 =	simm.s32 $_scs_section_size  }
0x9a: {  	s5 =	simm.s32 $_size__tile_overlayer_lowered;
	s6 =	simm.s32 $_tile_overlayer_lowered  }
0x9b: {  	s22 =	simm.s32 $0x1BFF;
	s21 =	sshll.u32 s6, $0x1;
	s3 =	sadd.s32 s4, s19  }
0x9c: {  	s7 =	simm.s32 $0x0;
	s20 =	sshll.u32 s5, $0x1;
	s5 =	sadd.s32 s21, s3  }
0x9d: {  	[timem:s7], [sflag:s22] =	dma.local [hbm:s5], s20  }
0x9e: {  	_ =	swait.ge [sflag:s22], s20  }
0x9f: {  	s4 =	ssub.s32 $0x0, s20;
	[sflag:s22] =	ssyncset.done $0x0  }
0xa0: {  	[sflag:s22] =	ssyncadd.s32 s4;
	_ =	sdelay $0x1  }
0xa1: {  	s23 =	simm.s32 $0x1B8B  }
0xa2: {  	_ =	swait.ge [sflag:s23], $0x1  }
0xa3: {  	[sflag:s23] =	ssyncset.done $0x0  }
0xa4: {  	s25 =	simm.s32 $0x1B8E;
	s24 =	sld [smem:$0x3FFE];
	[sflag:s23] =	ssyncadd.s32 $0xFFFFFFFF  }
0xa5: {  	s26 =	simm.s32 $execute0_lowered;
	[smem:$0x3FD2] =	sst s25  }
0xa6: {  	s5 =	sshll.u32 s26, $0x1;
	_ =	strace $0x80000046;
	[dreg:$0x1] =	wrdreg $0xFFFFFFFF  }
0xa7: {  	s28 =	simm.s32 $_size_execute0_lowered;
	s3 =	sadd.s32 s3, s5;
	[dreg:$0x0] =	wrdreg $0x0  }
0xa8: {  	s5 =	sshll.u32 s28, $0x1;
	[dreg:$0x2] =	wrdreg s3  }
0xa9: {  	[dreg:$0x3] =	wrdreg s5  }
0xaa: {  	[dreg:$0x4] =	wrdreg $0xC0  }
0xab: {  	_ =	task [dreg:s7], $0x5FFFF  }
0xac: {  	[dreg:$0x1] =	wrdreg $0xFFFFFFFF  }
0xad: {  	[dreg:$0x0] =	wrdreg $0x60  }
0xae: {  	[dreg:$0x2] =	wrdreg s24  }
0xaf: {  	[dreg:$0x3] =	wrdreg s2  }
0xb0: {  	[dreg:$0x4] =	wrdreg $0x9  }
0xb1: {  	_ =	task.clear_ibuf [dreg:s7], $0x5FFFF;
	_ =	strace $0x90000046  }
0xb2: {  	s29 =	simm.s32 $0x9;
	_ =	strace $0x80000048  }
0xb3: {  	_ =	swait.ge [sflag:s29], $0x1  }
0xb4: {  	[sflag:s29] =	ssyncadd.s32 $0xFFFFFFFF  }
0xb5: {  	_ =	strace $0x90000048  }
0xb6: {  	_ =	sfence  }
0xb7: {  	s30 =	sld [smem:$0x0];
	_ =	sdelay $0x2  }
0xb8: {  	s31 =	sshll.u32 s1, $0xD;
	s1 =	sshrl.u32 s1, $0x2  }
0xb9: {  	s3 =	sand.u32 $0x4000, s31;
	s1 =	sadd.s32 s1, s30  }
0xba: {  	s0 =	sor.u32 s3, s0;
	s1 =	sshll.u32 s1, $0x11  }
0xbb: {  	s0 =	sor.u32 s1, s0  }
0xbc: {  	s0 =	sadd.s32 $0x8F2B, s0  }
0xbd: {  	[sflag:s0] =	ssyncadd.remote.s32 $0x1  }
0xbe: {  	_ =	sfence.sel $0xFFFF  }
0xbf: {  	[dreg:$0x0] =	wrdreg $0xFFFFFFFF;
	(pc) =	sbr.abs _section_cstart, $3  }
0xc0: {  	[dreg:$0x1] =	wrdreg $0xFFFFFFFF  }
0xc1: {  	_ =	task.clear_ibuf [dreg:s7], $0x2FFFF;
	_ =	strace $0x9FFFFFFF  }
0xc2: {  	(tm) =	ssettm $0x7FFFFFFF  }
0xc3: {  	_ =	shalt  }
tec
execute0_lowered:
.L_overlay_start_1:
0x0: {  	(tag) =	ssettag $0x1  }
0x1: {  	s0 =	rddreg [dreg:$0x0]  }
0x2: {  	s5 =	rddreg [dreg:$0x1];
	s1 =	simm.s32 $0x0  }
0x3: {  	s8 =	srdreg.scid;
	s14 =	stileid.u32;
	s18 =	simm.s32 $0x18000  }
0x4: {  	s19 =	simm.s32 $0x1C000;
	s20 =	simm.s32 $0x1C280;
	s21 =	simm.s32 $0x1C500  }
0x5: {  	s22 =	simm.s32 $0x1C780;
	s23 =	simm.s32 $0x1CA00;
	s24 =	simm.s32 $0x1CC80  }
0x6: {  	s28 =	simm.s32 $0x1;
	s30 =	simm.s32 $0x2;
	[smem:$0x7FF] =	sst s1  }
0x7: {  	s12 =	sadd.s32 $0x22E00, s0;
	s13 =	sadd.s32 $0x2E00, s0;
	s2 =	sadd.s32 $0x2600, s0  }
0x8: {  	s3 =	sadd.s32 $0x1A00, s0;
	s4 =	sadd.s32 $0x1C00, s0;
	s6 =	sadd.s32 $0x1E00, s0  }
0x9: {  	s7 =	sadd.s32 $0x2000, s0;
	s9 =	sand.u32 $0x1, s8;
	s8 =	sadd.s32 $0x2200, s0  }
0xa: {  	s14 =	sshll.u32 s14, $0xD;
	_ =	strace $0x80000047;
	s10 =	ssub.s32 $0x2, s9  }
0xb: {  	s15 =	sshll.u32 s9, $0xC;
	s9 =	sadd.s32 $0x2400, s0;
	s11 =	sshrl.u32 s10, $0x1  }
0xc: {  	s0 =	simm.s32 $0x3;
	s14 =	sor.u32 s15, s14;
	s31 =	ssub.s32 s10, s11  }
0xd: {  	s10 =	sadd.s32 s12, s14;
	s11 =	sadd.s32 s13, s14;
	s15 =	sor.u32 $0x800, s14  }
0xe: {  	s14 =	sadd.s32 s5, s14;
	s12 =	sadd.s32 s12, s15;
	s13 =	sadd.s32 s13, s15  }
0xf: {  	v0 =	vimm.s32 $0x0;
	s15 =	sadd.s32 s5, s15;
	s16 =	smax.u32 s31, $0x1;
	s5 =	simm.s32 $0x0  }
.LBB2_1:
0x10: {  	[tilespmem:s1], [sflag:$0x1] =	stream.linear.gather [hbm4b:s10+s1], $0x4000, $0x38;
	[tilespmem:$0x1CF00] =	vst v63  }
0x11: {  	s17 =	simm.s32 $0x8000  }
0x12: {  	[tilespmem:s17], [sflag:$0x1] =	stream.linear.gather [hbm4b:s11+s1], $0x4000, $0x38;
	[tilespmem:$0x1CF00] =	vst v63  }
0x13: {  	_ = 	snop  }
0x14: {  	[tilespmem:s18], [sflag:$0x1] =	stream.linear.gather [hbm4b:s2+s1], $0x4000, $0x38;
	[tilespmem:$0x1CF00] =	vst v63  }
0x15: {  	_ = 	snop  }
0x16: {  	[tilespmem:s19], [sflag:$0x1] =	stream.linear.gather [hbm4b:s3+s1], $0x280, $0x38;
	[tilespmem:$0x1CF00] =	vst v63  }
0x17: {  	_ = 	snop  }
0x18: {  	[tilespmem:s20], [sflag:$0x1] =	stream.linear.gather [hbm4b:s4+s1], $0x280, $0x38;
	[tilespmem:$0x1CF00] =	vst v63  }
0x19: {  	_ = 	snop  }
0x1a: {  	[tilespmem:s21], [sflag:$0x1] =	stream.linear.gather [hbm4b:s6+s1], $0x280, $0x38;
	[tilespmem:$0x1CF00] =	vst v63  }
0x1b: {  	_ = 	snop  }
0x1c: {  	[tilespmem:s22], [sflag:$0x1] =	stream.linear.gather [hbm4b:s7+s1], $0x280, $0x38;
	[tilespmem:$0x1CF00] =	vst v63  }
0x1d: {  	_ = 	snop  }
0x1e: {  	[tilespmem:s23], [sflag:$0x1] =	stream.linear.gather [hbm4b:s8+s1], $0x280, $0x38;
	[tilespmem:$0x1CF00] =	vst v63  }
0x1f: {  	_ = 	snop  }
0x20: {  	[tilespmem:s24], [sflag:$0x1] =	stream.linear.gather [hbm4b:s9+s1], $0x280, $0x38;
	[tilespmem:$0x1CF00] =	vst v63  }
0x21: {  	s25 =	simm.s32 $0x4000  }
0x22: {  	[tilespmem:s25], [sflag:$0x2] =	stream.linear.gather [hbm4b:s12+s1], $0x4000, $0x38;
	[tilespmem:$0x1CF00] =	vst v63  }
0x23: {  	s26 =	simm.s32 $0xC000  }
0x24: {  	[tilespmem:s26], [sflag:$0x2] =	stream.linear.gather [hbm4b:s13+s1], $0x4000, $0x38;
	[tilespmem:$0x1CF00] =	vst v63  }
0x25: {  	_ =	swait.ge [sflag:s28], $0x4000  }
0x26: {  	[sflag:s28] =	ssyncset.done $0x0  }
0x27: {  	[sflag:s28] =	ssyncadd.s32 $0xFFFFC000  }
0x28: {  	_ =	swait.ge [sflag:s28], $0x4000  }
0x29: {  	[sflag:s28] =	ssyncset.done $0x0  }
0x2a: {  	[sflag:s28] =	ssyncadd.s32 $0xFFFFC000  }
0x2b: {  	_ =	swait.ge [sflag:s28], $0x4000  }
0x2c: {  	[sflag:s28] =	ssyncset.done $0x0  }
0x2d: {  	[sflag:s28] =	ssyncadd.s32 $0xFFFFC000  }
0x2e: {  	_ =	swait.ge [sflag:s28], $0x280  }
0x2f: {  	[sflag:s28] =	ssyncset.done $0x0  }
0x30: {  	[sflag:s28] =	ssyncadd.s32 $0xFFFFFD80  }
0x31: {  	_ =	swait.ge [sflag:s28], $0x280  }
0x32: {  	[sflag:s28] =	ssyncset.done $0x0  }
0x33: {  	[sflag:s28] =	ssyncadd.s32 $0xFFFFFD80  }
0x34: {  	_ =	swait.ge [sflag:s28], $0x280  }
0x35: {  	[sflag:s28] =	ssyncset.done $0x0  }
0x36: {  	[sflag:s28] =	ssyncadd.s32 $0xFFFFFD80  }
0x37: {  	_ =	swait.ge [sflag:s28], $0x280  }
0x38: {  	[sflag:s28] =	ssyncset.done $0x0  }
0x39: {  	[sflag:s28] =	ssyncadd.s32 $0xFFFFFD80  }
0x3a: {  	_ =	swait.ge [sflag:s28], $0x280  }
0x3b: {  	[sflag:s28] =	ssyncset.done $0x0  }
0x3c: {  	[sflag:s28] =	ssyncadd.s32 $0xFFFFFD80  }
0x3d: {  	_ =	swait.ge [sflag:s28], $0x280  }
0x3e: {  	[sflag:s28] =	ssyncset.done $0x0  }
0x3f: {  	s25 =	simm.s32 $0x8040;
	[sflag:s28] =	ssyncadd.s32 $0xFFFFFD80  }
0x40: {  	v4 =	vld [tilespmem:s25+$0x30]  }
0x41: {  	v1 =	vld [tilespmem:s25+$0xFFFFFFC0]  }
0x42: {  	s17 =	simm.s32 $0x40;
	v2 =	vld [tilespmem:s25+$0xFFFFFFD0]  }
0x43: {  	v9 =	vld [tilespmem:s17+$0x30]  }
0x44: {  	v10 =	vld [tilespmem:s17+$0xFFFFFFD0]  }
0x45: {  	v11 =	vld [tilespmem:s17+$0xFFFFFFE0]  }
0x46: {  	v12 =	vld [tilespmem:s17+$0xFFFFFFF0];
	v3 =	vmul.f32 $5.120000000e+02, v4  }
0x47: {  	v13 =	vld [tilespmem:s17+$0x0];
	v5 =	vmul.f32 $5.120000000e+02, v1  }
0x48: {  	v14 =	vld [tilespmem:s17+$0x10];
	v7 =	vmul.f32 $5.120000000e+02, v2;
	v3 =	vtrunc.f32 v3  }
0x49: {  	v16 =	vld [tilespmem:s17+$0x20];
	v6 =	vmul.f32 $5.120000000e+02, v9;
	v8 =	vcvt.f32.s32 v3  }
0x4a: {  	v17 =	vld [tilespmem:s17+$0xFFFFFFC0];
	v18 =	vmul.f32 $5.120000000e+02, v11;
	v15 =	vtrunc.f32 v5  }
0x4b: {  	v5 =	vtrunc.f32 v6;
	v6 =	vld [tilespmem:s25+$0xFFFFFFE0];
	v34 =	vtrunc.f32 v7  }
0x4c: {  	v7 =	vld [tilespmem:s25+$0x20];
	v3 =	vmul.f32 $5.120000000e+02, v10;
	v20 =	vcvt.f32.s32 v5  }
0x4d: {  	v19 =	vmul.f32 $5.120000000e+02, v12;
	v5 =	vld [tilespmem:s25+$0xFFFFFFF0]  }
0x4e: {  	v18 =	vtrunc.f32 v18;
	v21 =	vtrunc.f32 v3;
	v3 =	vld [tilespmem:s25+$0x0]  }
0x4f: {  	v22 =	vmul.f32 $5.120000000e+02, v13;
	v18 =	vcvt.f32.s32 v18;
	v25 =	vld.idx.msk [tilespmem:v8+s22+$0x0], $0xffff  }
0x50: {  	v23 =	vmul.f32 $5.120000000e+02, v14;
	v19 =	vtrunc.f32 v19;
	v27 =	vld.idx.msk [tilespmem:v8+s23+$0x0], $0xffff  }
0x51: {  	v24 =	vmul.f32 $5.120000000e+02, v16;
	v19 =	vcvt.f32.s32 v19;
	v28 =	vld.idx.msk [tilespmem:v8+s24+$0x0], $0xffff  }
0x52: {  	v26 =	vmul.f32 $5.120000000e+02, v17;
	v22 =	vtrunc.f32 v22;
	v29 =	vld.idx.msk [tilespmem:v20+s19+$0x0], $0xffff  }
0x53: {  	v23 =	vtrunc.f32 v23;
	v22 =	vcvt.f32.s32 v22;
	v32 =	vld.idx.msk [tilespmem:v20+s20+$0x0], $0xffff  }
0x54: {  	v24 =	vtrunc.f32 v24;
	v23 =	vcvt.f32.s32 v23;
	v20 =	vld.idx.msk [tilespmem:v20+s21+$0x0], $0xffff  }
0x55: {  	v24 =	vcvt.f32.s32 v24;
	v15 =	vcvt.f32.s32 v15;
	v60 =	vld.idx.msk [tilespmem:v18+s20+$0x0], $0xffff  }
0x56: {  	v34 =	vcvt.f32.s32 v34;
	v21 =	vcvt.f32.s32 v21;
	v61 =	vld.idx.msk [tilespmem:v18+s21+$0x0], $0xffff  }
0x57: {  	v50 =	vmul.f32 $5.120000000e+02, v6;
	v37 =	vmul.f32 $5.120000000e+02, v7;
	v62 =	vld.idx.msk [tilespmem:v19+s20+$0x0], $0xffff  }
0x58: {  	v30 =	vmul.f32 $5.120000000e+02, v5;
	v8 =	vtrunc.f32 v26;
	v38 =	vld.idx.msk [tilespmem:v19+s21+$0x0], $0xffff  }
0x59: {  	v26 =	vtrunc.f32 v50;
	v37 =	vtrunc.f32 v37;
	v39 =	vld.idx.msk [tilespmem:v22+s20+$0x0], $0xffff  }
0x5a: {  	v40 =	vld.idx.msk [tilespmem:v23+s20+$0x0], $0xffff;
	v31 =	vmul.f32 $5.120000000e+02, v3;
	v33 =	vcvt.f32.s32 v8  }
0x5b: {  	v41 =	vld.idx.msk [tilespmem:v23+s21+$0x0], $0xffff;
	v30 =	vtrunc.f32 v30;
	v26 =	vcvt.f32.s32 v26  }
0x5c: {  	v23 =	vld.idx.msk [tilespmem:v23+s19+$0x0], $0xffff;
	v30 =	vcvt.f32.s32 v30;
	v31 =	vtrunc.f32 v31  }
0x5d: {  	v35 =	vand.u32 $0xFF, v25;
	vm0 =	vlt.f32 v27, v4;
	v25 =	vshrl.u32 v25, $0x8  }
0x5e: {  	v8 =	vld [tilespmem:s25+$0x10];
	vm1 =	vle.f32 v28, v4;
	v4 =	vand.u32 $0xFF, v29;
	vm2 =	vlt.f32 v32, v9  }
0x5f: {  	vm3 =	vle.f32 v20, v9;
	v52 =	vshrl.u32 v29, $0x8;
	vm4 =	vlt.f32 v60, v11  }
0x60: {  	v42 =	vld.idx.msk [tilespmem:v24+s20+$0x0], $0xffff;
	vm5 =	vle.f32 v61, v11;
	vm6 =	vlt.f32 v62, v12;
	vm7 =	vle.f32 v38, v12  }
0x61: {  	vm8 =	vlt.f32 v39, v13;
	v62 =	vand.u32 $0xFF, v23;
	v23 =	vshrl.u32 v23, $0x8  }
0x62: {  	v57 =	vld.idx.msk [tilespmem:v21+s20+$0x0], $0xffff;
	v51 =	vsel vm2, $0x1, v0;
	v53 =	vsel vm3, $0x1, v0;
	v56 =	vsel vm0, $0x1, v0  }
0x63: {  	v59 =	vld.idx.msk [tilespmem:v21+s21+$0x0], $0xffff;
	v58 =	vsel vm1, $0x1, v0;
	v36 =	vmul.f32 $5.120000000e+02, v8;
	v45 =	vsel vm4, $0x1, v0  }
0x64: {  	v21 =	vld.idx.msk [tilespmem:v21+s19+$0x0], $0xffff;
	v46 =	vsel vm5, $0x1, v0;
	v47 =	vsel vm6, $0x1, v0;
	v48 =	vsel vm7, $0x1, v0  }
0x65: {  	v19 =	vld.idx.msk [tilespmem:v19+s19+$0x0], $0xffff;
	vm7 =	vlt.f32 v42, v16;
	v49 =	vsel vm8, $0x1, v0;
	v4 =	vadd.s32 v51, v4  }
0x66: {  	v55 =	vadd.s32 v53, v52;
	v27 =	vadd.s32 v56, v35;
	v25 =	vadd.s32 v58, v25  }
0x67: {  	v63 =	vld.idx.msk [tilespmem:v22+s21+$0x0], $0xffff;
	v53 =	vsel vm7, $0x1, v0;
	v20 =	vsub.s32 v55, v4;
	v4 =	vshll.u32 v4, $0x6  }
0x68: {  	v60 =	vld.idx.msk [tilespmem:v34+s23+$0x0], $0xffff;
	v25 =	vsub.s32 v25, v27;
	v36 =	vtrunc.f32 v36;
	vm15 =	vlt.f32 v57, v10  }
0x69: {  	v9 =	vld.idx.msk [tilespmem:v33+s20+$0x0], $0xffff;
	vm12 =	vle.f32 v59, v10;
	v56 =	vand.u32 $0xFF, v21;
	v21 =	vshrl.u32 v21, $0x8  }
0x6a: {  	v54 =	vld.idx.msk [tilespmem:v33+s21+$0x0], $0xffff;
	v59 =	vand.u32 $0xFF, v19;
	v19 =	vshrl.u32 v19, $0x8;
	v20 =	vshll.u32 v20, $0xD  }
0x6b: {  	v58 =	vld.idx.msk [tilespmem:v15+s24+$0x0], $0xffff;
	v25 =	vshll.u32 v25, $0xC;
	v43 =	vsel vm15, $0x1, v0;
	v44 =	vsel vm12, $0x1, v0  }
0x6c: {  	v42 =	vld.idx.msk [tilespmem:v26+s23+$0x0], $0xffff;
	vm15 =	vle.f32 v41, v14;
	v19 =	vadd.s32 v48, v19;
	v4 =	vadd.s32 v4, v20  }
0x6d: {  	v10 =	vld.idx.msk [tilespmem:v24+s21+$0x0], $0xffff;
	v52 =	vsel vm15, $0x1, v0;
	v20 =	vadd.s32 v43, v56;
	v4 =	vadd.s32 v27, v4  }
0x6e: {  	v24 =	vld.idx.msk [tilespmem:v24+s19+$0x0], $0xffff;
	v21 =	vadd.s32 v44, v21;
	vm11 =	vlt.f32 v60, v2;
	v25 =	vadd.s32 v25, v4  }
0x6f: {  	v57 =	vld.idx.msk [tilespmem:v15+s23+$0x0], $0xffff;
	v4 =	vand.u32 $0x7F, v4;
	vm13 =	vlt.f32 v9, v17;
	v9 =	vcvt.f32.s32 v31  }
0x70: {  	v41 =	vld.idx.msk [tilespmem:v34+s24+$0x0], $0xffff;
	v31 =	vcvt.f32.s32 v36;
	vm14 =	vle.f32 v54, v17;
	v17 =	vcvt.f32.s32 v37  }
0x71: {  	v43 =	vld.idx.msk [tilespmem:v26+s24+$0x0], $0xffff;
	vm10 =	vle.f32 v58, v1;
	v25 =	vand.u32 $0xFFFFFF80, v25;
	v11 =	vsel vm13, $0x1, v0  }
0x72: {  	v44 =	vld.idx.msk [tilespmem:v30+s23+$0x0], $0xffff;
	v12 =	vsel vm14, $0x1, v0;
	vm13 =	vle.f32 v63, v13;
	vm14 =	vlt.f32 v40, v14  }
0x73: {  	v14 =	vld.idx.msk [tilespmem:v18+s19+$0x0], $0xffff;
	vm8 =	vle.f32 v10, v16;
	v63 =	vand.u32 $0xFF, v24;
	v18 =	vadd.s32 v47, v59  }
0x74: {  	v10 =	vld.idx.msk [tilespmem:v22+s19+$0x0], $0xffff;
	v24 =	vshrl.u32 v24, $0x8;
	v22 =	vadd.s32 v52, v23;
	vm9 =	vlt.f32 v57, v1  }
0x75: {  	v15 =	vld.idx.msk [tilespmem:v15+s22+$0x0], $0xffff;
	v4 =	vor.u32 v4, v25;
	v50 =	vsel vm13, $0x1, v0;
	v51 =	vsel vm14, $0x1, v0  }
0x76: {  	v55 =	vsel vm8, $0x1, v0;
	v27 =	vadd.s32 v53, v63;
	vm12 =	vle.f32 v41, v2  }
0x77: {  	v13 =	vld.idx.msk [tilespmem:v33+s19+$0x0], $0xffff;
	vm13 =	vlt.f32 v42, v6;
	v32 =	vsel vm9, $0x1, v0;
	v4 =	vadd.s32 $0xFFFFD000, v4  }
0x78: {  	v16 =	vadd.s32 v51, v62;
	v24 =	vadd.s32 v55, v24;
	vm14 =	vle.f32 v43, v6  }
0x79: {  	vm15 =	vlt.f32 v44, v5;
	v51 =	vsel vm11, $0x1, v0;
	v52 =	vsel vm12, $0x1, v0  }
0x7a: {  	v53 =	vsel vm13, $0x1, v0;
	v62 =	vand.u32 $0xFF, v15;
	v15 =	vshrl.u32 v15, $0x8  }
0x7b: {  	v22 =	vsub.s32 v22, v16;
	v23 =	vadd.s32 v32, v62;
	v16 =	vshll.u32 v16, $0x6  }
0x7c: {  	v55 =	vld.idx.msk [tilespmem:v26+s22+$0x0], $0xffff;
	v22 =	vshll.u32 v22, $0xD;
	v54 =	vand.u32 $0xFF, v13;
	v13 =	vshrl.u32 v13, $0x8  }
0x7d: {  	v61 =	vand.u32 $0xFF, v10;
	v10 =	vshrl.u32 v10, $0x8;
	v11 =	vadd.s32 v11, v54  }
0x7e: {  	v12 =	vadd.s32 v12, v13;
	v13 =	vand.u32 $0xFF, v14;
	v14 =	vshrl.u32 v14, $0x8  }
0x7f: {  	v1 =	vld.idx.msk [tilespmem:v9+s24+$0x0], $0xffff;
	v25 =	vadd.s32 v49, v61;
	v10 =	vadd.s32 v50, v10;
	v54 =	vsel vm15, $0x1, v0  }
0x80: {  	v47 =	vld.idx.msk [tilespmem:v31+s23+$0x0], $0xffff;
	v13 =	vadd.s32 v45, v13;
	v14 =	vadd.s32 v46, v14;
	v2 =	vsub.s32 v12, v11  }
0x81: {  	v48 =	vld.idx.msk [tilespmem:v31+s24+$0x0], $0xffff;
	v12 =	vsub.s32 v21, v20;
	v10 =	vsub.s32 v10, v25;
	v21 =	vshrl.u32 v55, $0x8  }
0x82: {  	v49 =	vld.idx.msk [tilespmem:v17+s23+$0x0], $0xffff;
	v11 =	vshll.u32 v11, $0x6;
	v20 =	vshll.u32 v20, $0x6;
	v25 =	vshll.u32 v25, $0x6  }
0x83: {  	v50 =	vld.idx.msk [tilespmem:v17+s24+$0x0], $0xffff;
	v6 =	vsub.s32 v14, v13;
	v14 =	vsub.s32 v19, v18;
	v2 =	vshll.u32 v2, $0xD  }
0x84: {  	v17 =	vld.idx.msk [tilespmem:v17+s22+$0x0], $0xffff;
	v12 =	vshll.u32 v12, $0xD;
	v10 =	vshll.u32 v10, $0xD;
	v13 =	vshll.u32 v13, $0x6  }
0x85: {  	v45 =	vld.idx.msk [tilespmem:v30+s24+$0x0], $0xffff;
	v18 =	vshll.u32 v18, $0x6;
	v6 =	vshll.u32 v6, $0xD;
	v14 =	vshll.u32 v14, $0xD  }
0x86: {  	v46 =	vld.idx.msk [tilespmem:v9+s23+$0x0], $0xffff;
	v2 =	vadd.s32 v11, v2;
	v11 =	vadd.s32 v20, v12;
	v10 =	vadd.s32 v25, v10  }
0x87: {  	vm11 =	vle.f32 v1, v3;
	vm12 =	vlt.f32 v47, v8;
	vm13 =	vle.f32 v48, v8  }
0x88: {  	v9 =	vld.idx.msk [tilespmem:v9+s22+$0x0], $0xffff;
	v6 =	vadd.s32 v13, v6;
	v13 =	vadd.s32 v18, v14;
	v58 =	vsel vm11, $0x1, v0  }
0x89: {  	v59 =	vsel vm12, $0x1, v0;
	v60 =	vsel vm13, $0x1, v0;
	vm15 =	vle.f32 v50, v7  }
0x8a: {  	v50 =	vand.u32 $0xFF, v17;
	v17 =	vshrl.u32 v17, $0x8;
	vm9 =	vle.f32 v45, v5  }
0x8b: {  	v5 =	vsub.s32 v24, v27;
	v24 =	vsel vm10, $0x1, v0;
	vm10 =	vlt.f32 v46, v3  }
0x8c: {  	v1 =	vld.idx.msk [tilespmem:v34+s22+$0x0], $0xffff;
	v3 =	vsel vm14, $0x1, v0;
	vm14 =	vlt.f32 v49, v7;
	v63 =	vsel vm15, $0x1, v0  }
0x8d: {  	v8 =	vld.idx.msk [tilespmem:v30+s22+$0x0], $0xffff;
	v46 =	vand.u32 $0xFF, v55;
	v48 =	vand.u32 $0xFF, v9;
	v9 =	vshrl.u32 v9, $0x8  }
0x8e: {  	v27 =	vshll.u32 v27, $0x6;
	v56 =	vsel vm9, $0x1, v0;
	v57 =	vsel vm10, $0x1, v0  }
0x8f: {  	v61 =	vsel vm14, $0x1, v0;
	v5 =	vshll.u32 v5, $0xD;
	v15 =	vadd.s32 v24, v15  }
0x90: {  	v7 =	vld.idx.msk [tilespmem:v31+s22+$0x0], $0xffff;
	v3 =	vadd.s32 v3, v21;
	v9 =	vadd.s32 v58, v9;
	v12 =	vadd.s32 v63, v17  }
0x91: {  	v14 =	vsub.s32 v15, v23;
	v15 =	vadd.s32 v16, v22;
	v45 =	vand.u32 $0xFF, v1  }
0x92: {  	v1 =	vshrl.u32 v1, $0x8;
	v47 =	vand.u32 $0xFF, v8;
	v8 =	vshrl.u32 v8, $0x8  }
0x93: {  	v51 =	vadd.s32 v51, v45;
	v1 =	vadd.s32 v52, v1;
	v52 =	vadd.s32 v53, v46  }
0x94: {  	v53 =	vadd.s32 v54, v47;
	v8 =	vadd.s32 v56, v8;
	v54 =	vadd.s32 v57, v48  }
0x95: {  	v56 =	vadd.s32 v61, v50;
	v57 =	vadd.s32 v27, v5;
	v49 =	vand.u32 $0xFF, v7  }
0x96: {  	v7 =	vshrl.u32 v7, $0x8;
	v1 =	vsub.s32 v1, v51;
	v58 =	vsub.s32 v3, v52  }
0x97: {  	v61 =	vsub.s32 v9, v54;
	v63 =	vsub.s32 v12, v56;
	v9 =	vadd.s32 v23, v2  }
0x98: {  	v5 =	vadd.s32 v54, v10;
	v10 =	vshll.u32 v14, $0xC;
	v7 =	vadd.s32 v60, v7;
	v60 =	vld.idx.msk [tilespmem:v4+s18+$0x0], $0xffff  }
0x99: {  	v3 =	vadd.s32 v56, v57;
	v55 =	vadd.s32 v59, v49;
	v59 =	vsub.s32 v8, v53  }
0x9a: {  	v8 =	vadd.s32 v51, v11;
	v1 =	vshll.u32 v1, $0xC;
	v11 =	vshll.u32 v58, $0xC  }
0x9b: {  	v2 =	vshll.u32 v61, $0xC;
	v10 =	vadd.s32 v10, v9;
	v14 =	vshll.u32 v63, $0xC  }
0x9c: {  	s25 =	simm.s32 $0x10040;
	v62 =	vsub.s32 v7, v55;
	v7 =	vadd.s32 v52, v6;
	v6 =	vadd.s32 v53, v13  }
0x9d: {  	s29 =	simm.s32 $0x0;
	s31 =	simm.s32 $0x80C0;
	s26 =	simm.s32 $0x10040;
	v4 =	vadd.s32 v55, v15;
	v12 =	vshll.u32 v59, $0xC;
	v13 =	vshll.u32 v62, $0xC;
	[tilespmem:s25+$0x30] =	vst v60  }
.LBB2_2:
0x9e: {  	v19 =	vld [tilespmem:s31+$0x30];
	v15 =	vadd.s32 v1, v8;
	v11 =	vadd.s32 v11, v7;
	v12 =	vadd.s32 v12, v6  }
0x9f: {  	v16 =	vadd.s32 v2, v5;
	v13 =	vadd.s32 v13, v4;
	v17 =	vadd.s32 v14, v3;
	v1 =	vld [tilespmem:s31+$0xFFFFFFC0]  }
0xa0: {  	v10 =	vand.u32 $0xFFFFFF80, v10;
	s17 =	sadd.s32 $0x80, s17;
	v18 =	vand.u32 $0xFFFFFF80, v15;
	v11 =	vand.u32 $0xFFFFFF80, v11;
	v2 =	vld [tilespmem:s31+$0xFFFFFFD0]  }
0xa1: {  	v21 =	vand.u32 $0xFFFFFF80, v12;
	v22 =	vand.u32 $0xFFFFFF80, v16;
	v23 =	vand.u32 $0xFFFFFF80, v13;
	v20 =	vld [tilespmem:s17+$0x30]  }
0xa2: {  	v9 =	vand.u32 $0x7F, v9;
	v8 =	vand.u32 $0x7F, v8;
	v24 =	vand.u32 $0xFFFFFF80, v17;
	v14 =	vld [tilespmem:s17+$0xFFFFFFD0]  }
0xa3: {  	s29 =	sadd.s32 $0x80, s29;
	v7 =	vand.u32 $0x7F, v7;
	v6 =	vand.u32 $0x7F, v6;
	v15 =	vld [tilespmem:s17+$0xFFFFFFE0];
	v12 =	vmul.f32 $5.120000000e+02, v19  }
0xa4: {  	v5 =	vand.u32 $0x7F, v5;
	v4 =	vand.u32 $0x7F, v4;
	p0 =	slt.u32 s29, $0x3F80;
	v25 =	vmul.f32 $5.120000000e+02, v1;
	v16 =	vld [tilespmem:s17+$0xFFFFFFF0]  }
0xa5: {  	v3 =	vand.u32 $0x7F, v3;
	v26 =	vmul.f32 $5.120000000e+02, v2;
	v17 =	vld [tilespmem:s17+$0x0];
	v12 =	vtrunc.f32 v12  }
0xa6: {  	v10 =	vor.u32 v9, v10;
	v13 =	vld [tilespmem:s17+$0x10];
	v27 =	vmul.f32 $5.120000000e+02, v20;
	v28 =	vcvt.f32.s32 v12  }
0xa7: {  	v30 =	vor.u32 v8, v18;
	v25 =	vtrunc.f32 v25;
	v29 =	vmul.f32 $5.120000000e+02, v14;
	v12 =	vld [tilespmem:s17+$0x20]  }
0xa8: {  	v11 =	vor.u32 v7, v11;
	v18 =	vld [tilespmem:s17+$0xFFFFFFC0];
	v31 =	vmul.f32 $5.120000000e+02, v15;
	v8 =	vtrunc.f32 v27  }
0xa9: {  	v6 =	vor.u32 v6, v21;
	v9 =	vld [tilespmem:s31+$0xFFFFFFE0];
	v27 =	vmul.f32 $5.120000000e+02, v16;
	v32 =	vcvt.f32.s32 v8  }
0xaa: {  	v5 =	vor.u32 v5, v22;
	v21 =	vtrunc.f32 v29;
	v8 =	vld [tilespmem:s31+$0xFFFFFFF0];
	v29 =	vmul.f32 $5.120000000e+02, v17  }
0xab: {  	v23 =	vor.u32 v4, v23;
	v22 =	vtrunc.f32 v31;
	v7 =	vld [tilespmem:s31+$0x0];
	v31 =	vmul.f32 $5.120000000e+02, v13  }
0xac: {  	v24 =	vor.u32 v3, v24;
	v27 =	vtrunc.f32 v27;
	v4 =	vmul.f32 $5.120000000e+02, v12;
	v33 =	vld.idx.msk [tilespmem:v28+s22+$0x0], $0xffff  }
0xad: {  	v35 =	vadd.s32 $0xFFFFD000, v10;
	v29 =	vtrunc.f32 v29;
	v3 =	vmul.f32 $5.120000000e+02, v18;
	v34 =	vld.idx.msk [tilespmem:v28+s23+$0x0], $0xffff  }
0xae: {  	v30 =	vadd.s32 $0xFFFFD000, v30;
	v10 =	vtrunc.f32 v31;
	v31 =	vtrunc.f32 v4;
	v28 =	vld.idx.msk [tilespmem:v28+s24+$0x0], $0xffff  }
0xaf: {  	v38 =	vadd.s32 $0xFFFFD000, v11;
	v36 =	vmul.f32 $5.120000000e+02, v9;
	v4 =	vtrunc.f32 v3;
	v37 =	vld.idx.msk [tilespmem:v32+s19+$0x0], $0xffff  }
0xb0: {  	v39 =	vmul.f32 $5.120000000e+02, v8;
	v3 =	vadd.s32 $0xFFFFD000, v6;
	v40 =	vmul.f32 $5.120000000e+02, v7;
	v41 =	vld.idx.msk [tilespmem:v32+s20+$0x0], $0xffff  }
0xb1: {  	v43 =	vcvt.f32.s32 v21;
	v42 =	vcvt.f32.s32 v4;
	v4 =	vadd.s32 $0xFFFFD000, v5;
	v21 =	vld.idx.msk [tilespmem:v32+s21+$0x0], $0xffff  }
0xb2: {  	v27 =	vcvt.f32.s32 v27;
	v5 =	vadd.s32 $0xFFFFD000, v23;
	v32 =	vcvt.f32.s32 v22;
	v11 =	vld [tilespmem:s31+$0x10]  }
0xb3: {  	v29 =	vcvt.f32.s32 v29;
	v44 =	vcvt.f32.s32 v10;
	v6 =	vadd.s32 $0xFFFFD000, v24;
	v10 =	vld [tilespmem:s31+$0x20]  }
0xb4: {  	v22 =	vtrunc.f32 v26;
	v26 =	vcvt.f32.s32 v31;
	v23 =	vld.idx.msk [tilespmem:v35+s18+$0x0], $0xffff  }
0xb5: {  	v31 =	vtrunc.f32 v36;
	v24 =	vand.u32 $0xFF, v33;
	v35 =	vtrunc.f32 v39;
	v30 =	vld.idx.msk [tilespmem:v30+s18+$0x0], $0xffff  }
0xb6: {  	v33 =	vshrl.u32 v33, $0x8;
	vm0 =	vlt.f32 v34, v19;
	vm1 =	vle.f32 v28, v19;
	v19 =	vld.idx.msk [tilespmem:v38+s18+$0x0], $0xffff  }
0xb7: {  	v34 =	vand.u32 $0xFF, v37;
	vm2 =	vlt.f32 v41, v20;
	vm3 =	vle.f32 v21, v20;
	v28 =	vld.idx.msk [tilespmem:v42+s20+$0x0], $0xffff  }
0xb8: {  	v20 =	vsel vm2, $0x1, v0;
	v21 =	vshrl.u32 v37, $0x8;
	v37 =	vsel vm3, $0x1, v0;
	v36 =	vld.idx.msk [tilespmem:v42+s21+$0x0], $0xffff  }
0xb9: {  	v20 =	vadd.s32 v20, v34;
	v34 =	vsel vm0, $0x1, v0;
	v21 =	vadd.s32 v37, v21;
	v38 =	vld.idx.msk [tilespmem:v43+s20+$0x0], $0xffff  }
0xba: {  	v24 =	vadd.s32 v34, v24;
	v34 =	vsel vm1, $0x1, v0;
	v21 =	vsub.s32 v21, v20;
	v37 =	vld.idx.msk [tilespmem:v43+s21+$0x0], $0xffff;
	[tilespmem:s25+$0xFFFFFFC0] =	vst v23  }
0xbb: {  	v20 =	vshll.u32 v20, $0x6;
	v23 =	vadd.s32 v34, v33;
	v21 =	vshll.u32 v21, $0xD;
	v39 =	vld.idx.msk [tilespmem:v32+s20+$0x0], $0xffff;
	[tilespmem:s25+$0xFFFFFFD0] =	vst v30  }
0xbc: {  	v33 =	vmul.f32 $5.120000000e+02, v11;
	v23 =	vsub.s32 v23, v24;
	v20 =	vadd.s32 v20, v21;
	v30 =	vld.idx.msk [tilespmem:v32+s21+$0x0], $0xffff;
	[tilespmem:s25+$0xFFFFFFE0] =	vst v19  }
0xbd: {  	v19 =	vmul.f32 $5.120000000e+02, v10;
	v21 =	vshll.u32 v23, $0xC;
	v20 =	vadd.s32 v24, v20;
	v34 =	vld.idx.msk [tilespmem:v27+s20+$0x0], $0xffff  }
0xbe: {  	v40 =	vtrunc.f32 v40;
	v33 =	vtrunc.f32 v33;
	v21 =	vadd.s32 v21, v20;
	v41 =	vld.idx.msk [tilespmem:v27+s21+$0x0], $0xffff  }
0xbf: {  	v20 =	vand.u32 $0x7F, v20;
	v46 =	vtrunc.f32 v19;
	v19 =	vand.u32 $0xFFFFFF80, v21;
	v45 =	vld.idx.msk [tilespmem:v29+s20+$0x0], $0xffff  }
0xc0: {  	v24 =	vcvt.f32.s32 v25;
	v23 =	vcvt.f32.s32 v22;
	v19 =	vor.u32 v20, v19;
	v25 =	vld.idx.msk [tilespmem:v29+s21+$0x0], $0xffff  }
0xc1: {  	v22 =	vcvt.f32.s32 v31;
	v20 =	vcvt.f32.s32 v35;
	v35 =	vadd.s32 $0xFFFFD000, v19;
	v31 =	vld.idx.msk [tilespmem:v44+s20+$0x0], $0xffff  }
0xc2: {  	vm0 =	vlt.f32 v28, v18;
	v21 =	vcvt.f32.s32 v40;
	v19 =	vcvt.f32.s32 v33;
	v28 =	vld.idx.msk [tilespmem:v44+s21+$0x0], $0xffff  }
0xc3: {  	vm1 =	vle.f32 v36, v18;
	vm2 =	vlt.f32 v38, v14;
	v18 =	vcvt.f32.s32 v46;
	v33 =	vld.idx.msk [tilespmem:v26+s20+$0x0], $0xffff  }
0xc4: {  	vm3 =	vle.f32 v37, v14;
	vm4 =	vlt.f32 v39, v15;
	vm5 =	vle.f32 v30, v15;
	v14 =	vld.idx.msk [tilespmem:v26+s21+$0x0], $0xffff  }
0xc5: {  	vm6 =	vlt.f32 v34, v16;
	vm7 =	vle.f32 v41, v16;
	vm8 =	vlt.f32 v45, v17;
	v15 =	vld.idx.msk [tilespmem:v42+s19+$0x0], $0xffff  }
0xc6: {  	v30 =	vsel vm1, $0x1, v0;
	v16 =	vsel vm0, $0x1, v0;
	vm0 =	vle.f32 v25, v17;
	v17 =	vld.idx.msk [tilespmem:v35+s18+$0x0], $0xffff  }
0xc7: {  	v34 =	vsel vm2, $0x1, v0;
	v35 =	vsel vm3, $0x1, v0;
	vm1 =	vlt.f32 v31, v13;
	v25 =	vld.idx.msk [tilespmem:v43+s19+$0x0], $0xffff  }
0xc8: {  	v36 =	vsel vm5, $0x1, v0;
	vm2 =	vle.f32 v28, v13;
	v31 =	vld.idx.msk [tilespmem:v32+s19+$0x0], $0xffff;
	v32 =	vsel vm4, $0x1, v0  }
0xc9: {  	v28 =	vsel vm7, $0x1, v0;
	vm3 =	vlt.f32 v33, v12;
	v13 =	vld.idx.msk [tilespmem:v27+s19+$0x0], $0xffff;
	v27 =	vsel vm6, $0x1, v0  }
0xca: {  	v37 =	vsel vm0, $0x1, v0;
	v33 =	vsel vm8, $0x1, v0;
	vm0 =	vle.f32 v14, v12;
	v29 =	vld.idx.msk [tilespmem:v29+s19+$0x0], $0xffff  }
0xcb: {  	s25 =	sadd.s32 $0x80, s25;
	v38 =	vsel vm1, $0x1, v0;
	v39 =	vsel vm2, $0x1, v0;
	v40 =	vsel vm3, $0x1, v0;
	v14 =	vld.idx.msk [tilespmem:v44+s19+$0x0], $0xffff  }
0xcc: {  	v12 =	vand.u32 $0xFF, v15;
	v15 =	vshrl.u32 v15, $0x8;
	v41 =	vsel vm0, $0x1, v0;
	v26 =	vld.idx.msk [tilespmem:v26+s19+$0x0], $0xffff;
	[tilespmem:s25+$0x30] =	vst v17  }
0xcd: {  	v12 =	vadd.s32 v16, v12;
	v17 =	vand.u32 $0xFF, v25;
	v25 =	vshrl.u32 v25, $0x8;
	v16 =	vld.idx.msk [tilespmem:v24+s23+$0x0], $0xffff  }
0xce: {  	v15 =	vadd.s32 v30, v15;
	v42 =	vand.u32 $0xFF, v31;
	v31 =	vshrl.u32 v31, $0x8;
	v30 =	vld.idx.msk [tilespmem:v24+s24+$0x0], $0xffff  }
0xcf: {  	v17 =	vadd.s32 v34, v17;
	v43 =	vand.u32 $0xFF, v13;
	v13 =	vshrl.u32 v13, $0x8;
	v34 =	vld.idx.msk [tilespmem:v23+s23+$0x0], $0xffff  }
0xd0: {  	v25 =	vadd.s32 v35, v25;
	v44 =	vand.u32 $0xFF, v29;
	v29 =	vshrl.u32 v29, $0x8;
	v35 =	vld.idx.msk [tilespmem:v23+s24+$0x0], $0xffff  }
0xd1: {  	v32 =	vadd.s32 v32, v42;
	v45 =	vand.u32 $0xFF, v14;
	v14 =	vshrl.u32 v14, $0x8;
	v42 =	vld.idx.msk [tilespmem:v22+s23+$0x0], $0xffff  }
0xd2: {  	v31 =	vadd.s32 v36, v31;
	v46 =	vand.u32 $0xFF, v26;
	v26 =	vshrl.u32 v26, $0x8;
	v36 =	vld.idx.msk [tilespmem:v22+s24+$0x0], $0xffff  }
0xd3: {  	v27 =	vadd.s32 v27, v43;
	v13 =	vadd.s32 v28, v13;
	v33 =	vadd.s32 v33, v44;
	v28 =	vld.idx.msk [tilespmem:v20+s23+$0x0], $0xffff  }
0xd4: {  	v29 =	vadd.s32 v37, v29;
	v37 =	vadd.s32 v38, v45;
	v14 =	vadd.s32 v39, v14;
	v43 =	vld.idx.msk [tilespmem:v20+s24+$0x0], $0xffff  }
0xd5: {  	vm0 =	vlt.f32 v16, v1;
	v38 =	vadd.s32 v40, v46;
	v26 =	vadd.s32 v41, v26;
	v16 =	vld.idx.msk [tilespmem:v21+s23+$0x0], $0xffff  }
0xd6: {  	vm1 =	vle.f32 v30, v1;
	vm2 =	vlt.f32 v34, v2;
	vm3 =	vle.f32 v35, v2;
	v1 =	vld.idx.msk [tilespmem:v21+s24+$0x0], $0xffff  }
0xd7: {  	v2 =	vsub.s32 v15, v12;
	v15 =	vsub.s32 v25, v17;
	vm4 =	vlt.f32 v42, v9;
	v25 =	vld.idx.msk [tilespmem:v19+s23+$0x0], $0xffff  }
0xd8: {  	v13 =	vsub.s32 v13, v27;
	vm5 =	vle.f32 v36, v9;
	v9 =	vsub.s32 v31, v32;
	v30 =	vld.idx.msk [tilespmem:v19+s24+$0x0], $0xffff  }
0xd9: {  	v14 =	vsub.s32 v14, v37;
	vm6 =	vlt.f32 v28, v8;
	v28 =	vsub.s32 v29, v33;
	v29 =	vld.idx.msk [tilespmem:v18+s23+$0x0], $0xffff  }
0xda: {  	v26 =	vsub.s32 v26, v38;
	v31 =	vsel vm0, $0x1, v0;
	vm0 =	vle.f32 v43, v8;
	v8 =	vld.idx.msk [tilespmem:v18+s24+$0x0], $0xffff  }
0xdb: {  	v34 =	vsel vm1, $0x1, v0;
	v35 =	vsel vm2, $0x1, v0;
	vm1 =	vlt.f32 v16, v7;
	v24 =	vld.idx.msk [tilespmem:v24+s22+$0x0], $0xffff  }
0xdc: {  	v36 =	vsel vm4, $0x1, v0;
	vm2 =	vle.f32 v1, v7;
	v16 =	vld.idx.msk [tilespmem:v23+s22+$0x0], $0xffff;
	v23 =	vsel vm3, $0x1, v0  }
0xdd: {  	v7 =	vsel vm5, $0x1, v0;
	vm3 =	vlt.f32 v25, v11;
	v1 =	vld.idx.msk [tilespmem:v22+s22+$0x0], $0xffff;
	v22 =	vsel vm6, $0x1, v0  }
0xde: {  	v39 =	vsel vm1, $0x1, v0;
	v25 =	vsel vm0, $0x1, v0;
	vm0 =	vle.f32 v30, v11;
	v20 =	vld.idx.msk [tilespmem:v20+s22+$0x0], $0xffff  }
0xdf: {  	v30 =	vsel vm3, $0x1, v0;
	vm1 =	vlt.f32 v29, v10;
	v11 =	vld.idx.msk [tilespmem:v21+s22+$0x0], $0xffff;
	v21 =	vsel vm2, $0x1, v0  }
0xe0: {  	v29 =	vsel vm0, $0x1, v0;
	v40 =	vsel vm1, $0x1, v0;
	vm0 =	vle.f32 v8, v10;
	v19 =	vld.idx.msk [tilespmem:v19+s22+$0x0], $0xffff  }
0xe1: {  	v8 =	vand.u32 $0xFF, v24;
	v10 =	vshrl.u32 v24, $0x8;
	v24 =	vsel vm0, $0x1, v0;
	v18 =	vld.idx.msk [tilespmem:v18+s22+$0x0], $0xffff  }
0xe2: {  	v2 =	vshll.u32 v2, $0xD;
	v41 =	vand.u32 $0xFF, v16;
	v16 =	vshrl.u32 v16, $0x8;
	v3 =	vld.idx.msk [tilespmem:v3+s18+$0x0], $0xffff  }
0xe3: {  	v15 =	vshll.u32 v15, $0xD;
	v42 =	vand.u32 $0xFF, v1;
	v1 =	vshrl.u32 v1, $0x8;
	v4 =	vld.idx.msk [tilespmem:v4+s18+$0x0], $0xffff  }
0xe4: {  	v9 =	vshll.u32 v9, $0xD;
	v43 =	vand.u32 $0xFF, v20;
	v20 =	vshrl.u32 v20, $0x8;
	v5 =	vld.idx.msk [tilespmem:v5+s18+$0x0], $0xffff  }
0xe5: {  	v13 =	vshll.u32 v13, $0xD;
	v44 =	vand.u32 $0xFF, v11;
	v11 =	vshrl.u32 v11, $0x8;
	v6 =	vld.idx.msk [tilespmem:v6+s18+$0x0], $0xffff  }
0xe6: {  	v28 =	vshll.u32 v28, $0xD;
	v45 =	vand.u32 $0xFF, v19;
	v19 =	vshrl.u32 v19, $0x8  }
0xe7: {  	v14 =	vshll.u32 v14, $0xD;
	v46 =	vand.u32 $0xFF, v18;
	v18 =	vshrl.u32 v18, $0x8  }
0xe8: {  	v26 =	vshll.u32 v26, $0xD;
	v12 =	vshll.u32 v12, $0x6;
	v17 =	vshll.u32 v17, $0x6;
	[tilespmem:s26+$0xFFFFFFF0] =	vst v3  }
0xe9: {  	v27 =	vshll.u32 v27, $0x6;
	v3 =	vshll.u32 v32, $0x6;
	v32 =	vshll.u32 v33, $0x6;
	[tilespmem:s26+$0x0] =	vst v4  }
0xea: {  	v4 =	vadd.s32 v31, v8;
	v8 =	vshll.u32 v37, $0x6;
	v31 =	vshll.u32 v38, $0x6;
	[tilespmem:s26+$0x10] =	vst v5  }
0xeb: {  	v16 =	vadd.s32 v23, v16;
	v5 =	vadd.s32 v34, v10;
	v10 =	vadd.s32 v35, v41;
	[tilespmem:s26+$0x20] =	vst v6;
	s26 =	smov.u32 s25  }
0xec: {  	v1 =	vadd.s32 v7, v1;
	v22 =	vadd.s32 v22, v43;
	v6 =	vadd.s32 v36, v42  }
0xed: {  	v7 =	vadd.s32 v25, v20;
	v20 =	vadd.s32 v39, v44;
	v11 =	vadd.s32 v21, v11  }
0xee: {  	v21 =	vadd.s32 v30, v45;
	v19 =	vadd.s32 v29, v19;
	v23 =	vadd.s32 v40, v46  }
0xef: {  	v2 =	vadd.s32 v12, v2;
	v12 =	vadd.s32 v17, v15;
	v15 =	vadd.s32 v24, v18  }
0xf0: {  	v13 =	vadd.s32 v27, v13;
	v3 =	vadd.s32 v3, v9;
	v17 =	vadd.s32 v32, v28  }
0xf1: {  	v14 =	vadd.s32 v8, v14;
	v24 =	vadd.s32 v31, v26;
	v18 =	vsub.s32 v5, v4  }
0xf2: {  	v26 =	vsub.s32 v7, v22;
	v16 =	vsub.s32 v16, v10;
	v25 =	vsub.s32 v1, v6  }
0xf3: {  	v27 =	vsub.s32 v11, v20;
	v19 =	vsub.s32 v19, v21;
	v15 =	vsub.s32 v15, v23  }
.Ltmp0:
0xf4: {  	v9 =	vadd.s32 v4, v2;
	v8 =	vadd.s32 v10, v12;
	v7 =	vadd.s32 v6, v3;
	(pc) =	sbr.rel @p0 .LBB2_2-.Ltmp0, $4  }
0xf5: {  	v5 =	vadd.s32 v20, v17;
	v4 =	vadd.s32 v21, v14;
	v6 =	vadd.s32 v22, v13  }
0xf6: {  	v10 =	vshll.u32 v18, $0xC;
	v1 =	vshll.u32 v16, $0xC;
	v3 =	vadd.s32 v23, v24  }
0xf7: {  	v2 =	vshll.u32 v27, $0xC;
	v12 =	vshll.u32 v26, $0xC;
	v11 =	vshll.u32 v25, $0xC  }
0xf8: {  	s31 =	sadd.s32 $0x80, s31;
	v14 =	vshll.u32 v15, $0xC;
	v13 =	vshll.u32 v19, $0xC;
	v10 =	vadd.s32 v10, v9  }
0xf9: {  	v1 =	vadd.s32 v1, v8  }
0xfa: {  	v11 =	vadd.s32 v11, v7;
	v12 =	vadd.s32 v12, v6;
	v2 =	vadd.s32 v2, v5  }
0xfb: {  	v13 =	vadd.s32 v13, v4;
	v14 =	vadd.s32 v14, v3;
	v10 =	vand.u32 $0xFFFFFF80, v10  }
0xfc: {  	v9 =	vand.u32 $0x7F, v9;
	v8 =	vand.u32 $0x7F, v8;
	v7 =	vand.u32 $0x7F, v7  }
0xfd: {  	v6 =	vand.u32 $0x7F, v6;
	v5 =	vand.u32 $0x7F, v5;
	v4 =	vand.u32 $0x7F, v4  }
0xfe: {  	v3 =	vand.u32 $0x7F, v3;
	v1 =	vand.u32 $0xFFFFFF80, v1;
	v9 =	vor.u32 v9, v10  }
0xff: {  	v11 =	vand.u32 $0xFFFFFF80, v11;
	v1 =	vor.u32 v8, v1;
	v8 =	vadd.s32 $0xFFFFD000, v9  }
0x100: {  	v12 =	vand.u32 $0xFFFFFF80, v12;
	v7 =	vor.u32 v7, v11;
	v1 =	vadd.s32 $0xFFFFD000, v1  }
0x101: {  	v2 =	vand.u32 $0xFFFFFF80, v2;
	v6 =	vor.u32 v6, v12;
	v7 =	vadd.s32 $0xFFFFD000, v7  }
0x102: {  	v13 =	vand.u32 $0xFFFFFF80, v13;
	v2 =	vor.u32 v5, v2;
	v5 =	vadd.s32 $0xFFFFD000, v6  }
0x103: {  	v14 =	vand.u32 $0xFFFFFF80, v14;
	v4 =	vor.u32 v4, v13;
	v2 =	vadd.s32 $0xFFFFD000, v2  }
0x104: {  	v3 =	vor.u32 v3, v14;
	v4 =	vadd.s32 $0xFFFFD000, v4;
	v6 =	vld.idx.msk [tilespmem:v8+s18+$0x0], $0xffff  }
0x105: {  	v3 =	vadd.s32 $0xFFFFD000, v3;
	v1 =	vld.idx.msk [tilespmem:v1+s18+$0x0], $0xffff  }
0x106: {  	v7 =	vld.idx.msk [tilespmem:v7+s18+$0x0], $0xffff  }
0x107: {  	v5 =	vld.idx.msk [tilespmem:v5+s18+$0x0], $0xffff  }
0x108: {  	v2 =	vld.idx.msk [tilespmem:v2+s18+$0x0], $0xffff  }
0x109: {  	v4 =	vld.idx.msk [tilespmem:v4+s18+$0x0], $0xffff;
	[tilespmem:s25+$0xFFFFFFC0] =	vst v6  }
0x10a: {  	[tilespmem:s25+$0xFFFFFFD0] =	vst v1;
	v1 =	vld.idx.msk [tilespmem:v3+s18+$0x0], $0xffff  }
0x10b: {  	[tilespmem:s25+$0xFFFFFFE0] =	vst v7  }
0x10c: {  	[tilespmem:s26+$0xFFFFFFF0] =	vst v5  }
0x10d: {  	[tilespmem:s26+$0x0] =	vst v2  }
0x10e: {  	[tilespmem:s26+$0x10] =	vst v4  }
0x10f: {  	s17 =	simm.s32 $0x0;
	s31 =	simm.s32 $0x10000;
	[tilespmem:s26+$0x20] =	vst v1  }
0x110: {  	[hbm4b:s14+s17] =	stream.linear.scatter [tilespmem:s31], [sflag:$0x3], $0x4000, $0x38;
	[tilespmem:$0x1CF00] =	vst v63  }
0x111: {  	_ =	swait.ge [sflag:s30], $0x4000  }
0x112: {  	[sflag:s30] =	ssyncset.done $0x0  }
0x113: {  	[sflag:s30] =	ssyncadd.s32 $0xFFFFC000  }
0x114: {  	_ =	swait.ge [sflag:s30], $0x4000  }
0x115: {  	[sflag:s30] =	ssyncset.done $0x0  }
0x116: {  	s17 =	simm.s32 $0x0;
	[sflag:s30] =	ssyncadd.s32 $0xFFFFC000  }
0x117: {  	v2 =	vld [tilespmem:s17+$0xC070]  }
0x118: {  	v9 =	vld [tilespmem:s17+$0x4000]  }
0x119: {  	v10 =	vld [tilespmem:s17+$0x4010]  }
0x11a: {  	v11 =	vld [tilespmem:s17+$0x4070]  }
0x11b: {  	v12 =	vld [tilespmem:s17+$0x4020]  }
0x11c: {  	v13 =	vld [tilespmem:s17+$0x4030]  }
0x11d: {  	v14 =	vld [tilespmem:s17+$0x4040];
	v1 =	vmul.f32 $5.120000000e+02, v2  }
0x11e: {  	v15 =	vld [tilespmem:s17+$0x4050];
	v3 =	vmul.f32 $5.120000000e+02, v9  }
0x11f: {  	v16 =	vld [tilespmem:s17+$0x4060];
	v7 =	vmul.f32 $5.120000000e+02, v10;
	v1 =	vtrunc.f32 v1  }
0x120: {  	v4 =	vld [tilespmem:s17+$0xC000];
	v5 =	vmul.f32 $5.120000000e+02, v11;
	v8 =	vcvt.f32.s32 v1  }
0x121: {  	v6 =	vld [tilespmem:s17+$0xC010];
	v17 =	vtrunc.f32 v3  }
0x122: {  	v3 =	vtrunc.f32 v5;
	v5 =	vld [tilespmem:s17+$0xC020];
	v7 =	vtrunc.f32 v7  }
0x123: {  	v1 =	vmul.f32 $5.120000000e+02, v12;
	v20 =	vcvt.f32.s32 v3;
	v3 =	vld [tilespmem:s17+$0xC030]  }
0x124: {  	v18 =	vmul.f32 $5.120000000e+02, v13;
	v34 =	vcvt.f32.s32 v7;
	v7 =	vld [tilespmem:s17+$0xC060]  }
0x125: {  	v19 =	vmul.f32 $5.120000000e+02, v14;
	v22 =	vtrunc.f32 v1;
	v1 =	vld [tilespmem:s17+$0xC040]  }
0x126: {  	v21 =	vmul.f32 $5.120000000e+02, v15;
	v23 =	vmul.f32 $5.120000000e+02, v16;
	v24 =	vld.idx.msk [tilespmem:v8+s22+$0x0], $0xffff  }
0x127: {  	v26 =	vmul.f32 $5.120000000e+02, v4;
	v17 =	vcvt.f32.s32 v17;
	v25 =	vld.idx.msk [tilespmem:v8+s23+$0x0], $0xffff  }
0x128: {  	v27 =	vmul.f32 $5.120000000e+02, v6;
	v18 =	vtrunc.f32 v18;
	v28 =	vld.idx.msk [tilespmem:v8+s24+$0x0], $0xffff  }
0x129: {  	v19 =	vtrunc.f32 v19;
	v21 =	vtrunc.f32 v21;
	v31 =	vld.idx.msk [tilespmem:v20+s19+$0x0], $0xffff  }
0x12a: {  	v23 =	vtrunc.f32 v23;
	v18 =	vcvt.f32.s32 v18;
	v33 =	vld.idx.msk [tilespmem:v20+s20+$0x0], $0xffff  }
0x12b: {  	v26 =	vtrunc.f32 v26;
	v27 =	vtrunc.f32 v27;
	v20 =	vld.idx.msk [tilespmem:v20+s21+$0x0], $0xffff  }
0x12c: {  	v19 =	vcvt.f32.s32 v19;
	v21 =	vcvt.f32.s32 v21;
	v8 =	vld [tilespmem:s17+$0xC050]  }
0x12d: {  	v23 =	vcvt.f32.s32 v23;
	v26 =	vcvt.f32.s32 v26;
	v54 =	vld.idx.msk [tilespmem:v17+s20+$0x0], $0xffff  }
0x12e: {  	v27 =	vcvt.f32.s32 v27;
	v29 =	vmul.f32 $5.120000000e+02, v5;
	v58 =	vld.idx.msk [tilespmem:v34+s20+$0x0], $0xffff  }
0x12f: {  	v22 =	vcvt.f32.s32 v22;
	v30 =	vmul.f32 $5.120000000e+02, v3;
	v61 =	vld.idx.msk [tilespmem:v34+s21+$0x0], $0xffff  }
0x130: {  	v38 =	vmul.f32 $5.120000000e+02, v7;
	v29 =	vtrunc.f32 v29;
	v44 =	vld.idx.msk [tilespmem:v18+s20+$0x0], $0xffff  }
0x131: {  	v45 =	vld.idx.msk [tilespmem:v18+s21+$0x0], $0xffff;
	v32 =	vmul.f32 $5.120000000e+02, v1;
	v30 =	vtrunc.f32 v30  }
0x132: {  	v39 =	vld.idx.msk [tilespmem:v19+s20+$0x0], $0xffff;
	v38 =	vtrunc.f32 v38;
	v29 =	vcvt.f32.s32 v29  }
0x133: {  	v46 =	vld.idx.msk [tilespmem:v21+s20+$0x0], $0xffff;
	v30 =	vcvt.f32.s32 v30;
	v32 =	vtrunc.f32 v32  }
0x134: {  	v47 =	vld.idx.msk [tilespmem:v23+s20+$0x0], $0xffff;
	v35 =	vand.u32 $0xFF, v24;
	vm0 =	vlt.f32 v25, v2;
	v24 =	vshrl.u32 v24, $0x8  }
0x135: {  	v18 =	vld.idx.msk [tilespmem:v18+s19+$0x0], $0xffff;
	vm1 =	vle.f32 v28, v2;
	v2 =	vand.u32 $0xFF, v31;
	vm2 =	vlt.f32 v33, v11  }
0x136: {  	vm3 =	vle.f32 v20, v11;
	v56 =	vshrl.u32 v31, $0x8;
	v37 =	vmul.f32 $5.120000000e+02, v8  }
0x137: {  	vm14 =	vlt.f32 v54, v9;
	v25 =	vcvt.f32.s32 v32;
	vm12 =	vlt.f32 v58, v10  }
0x138: {  	v40 =	vld.idx.msk [tilespmem:v19+s21+$0x0], $0xffff;
	vm13 =	vle.f32 v61, v10;
	vm6 =	vlt.f32 v44, v13;
	vm7 =	vle.f32 v45, v13  }
0x139: {  	v43 =	vld.idx.msk [tilespmem:v27+s23+$0x0], $0xffff;
	vm8 =	vlt.f32 v39, v14;
	vm9 =	vlt.f32 v46, v15;
	vm10 =	vlt.f32 v47, v16  }
0x13a: {  	v36 =	vld.idx.msk [tilespmem:v22+s20+$0x0], $0xffff;
	v42 =	vand.u32 $0xFF, v18;
	v18 =	vshrl.u32 v18, $0x8;
	v55 =	vsel vm2, $0x1, v0  }
0x13b: {  	v11 =	vld.idx.msk [tilespmem:v17+s21+$0x0], $0xffff;
	v57 =	vsel vm3, $0x1, v0;
	v60 =	vsel vm0, $0x1, v0;
	v62 =	vsel vm1, $0x1, v0  }
0x13c: {  	v10 =	vld.idx.msk [tilespmem:v17+s19+$0x0], $0xffff;
	v17 =	vsel vm12, $0x1, v0;
	v48 =	vsel vm13, $0x1, v0;
	v50 =	vsel vm6, $0x1, v0  }
0x13d: {  	v63 =	vld.idx.msk [tilespmem:v22+s21+$0x0], $0xffff;
	v51 =	vsel vm7, $0x1, v0;
	v52 =	vsel vm8, $0x1, v0;
	v54 =	vsel vm9, $0x1, v0  }
0x13e: {  	vm2 =	vlt.f32 v43, v6;
	v2 =	vadd.s32 v55, v2;
	v59 =	vadd.s32 v57, v56  }
0x13f: {  	v28 =	vadd.s32 v60, v35;
	v24 =	vadd.s32 v62, v24;
	v37 =	vtrunc.f32 v37  }
0x140: {  	v13 =	vld.idx.msk [tilespmem:v34+s19+$0x0], $0xffff;
	v56 =	vsel vm10, $0x1, v0;
	v20 =	vsub.s32 v59, v2;
	v2 =	vshll.u32 v2, $0x6  }
0x141: {  	v44 =	vld.idx.msk [tilespmem:v27+s24+$0x0], $0xffff;
	v24 =	vsub.s32 v24, v28;
	v32 =	vcvt.f32.s32 v37;
	vm4 =	vlt.f32 v36, v12  }
0x142: {  	v41 =	vld.idx.msk [tilespmem:v21+s21+$0x0], $0xffff;
	vm5 =	vle.f32 v63, v12;
	v12 =	vsel vm14, $0x1, v0;
	vm14 =	vle.f32 v40, v14  }
0x143: {  	v20 =	vshll.u32 v20, $0xD;
	v24 =	vshll.u32 v24, $0xC;
	v49 =	vsel vm5, $0x1, v0  }
0x144: {  	v21 =	vld.idx.msk [tilespmem:v21+s19+$0x0], $0xffff;
	v53 =	vsel vm14, $0x1, v0;
	v2 =	vadd.s32 v2, v20;
	vm15 =	vle.f32 v11, v9  }
0x145: {  	v62 =	vld.idx.msk [tilespmem:v26+s24+$0x0], $0xffff;
	v9 =	vcvt.f32.s32 v38;
	v57 =	vand.u32 $0xFF, v10;
	v10 =	vshrl.u32 v10, $0x8  }
0x146: {  	v45 =	vld.idx.msk [tilespmem:v29+s23+$0x0], $0xffff;
	v60 =	vand.u32 $0xFF, v13;
	v13 =	vshrl.u32 v13, $0x8;
	vm12 =	vle.f32 v44, v6  }
0x147: {  	v59 =	vld.idx.msk [tilespmem:v26+s23+$0x0], $0xffff;
	v2 =	vadd.s32 v28, v2;
	v14 =	vsel vm15, $0x1, v0;
	vm15 =	vle.f32 v41, v15  }
0x148: {  	v15 =	vld.idx.msk [tilespmem:v22+s19+$0x0], $0xffff;
	v22 =	vsel vm4, $0x1, v0;
	v12 =	vadd.s32 v12, v57;
	v17 =	vadd.s32 v17, v60  }
0x149: {  	v13 =	vadd.s32 v48, v13;
	v28 =	vadd.s32 v50, v42;
	v57 =	vsel vm2, $0x1, v0  }
0x14a: {  	v24 =	vadd.s32 v24, v2;
	v2 =	vand.u32 $0x7F, v2;
	v55 =	vsel vm15, $0x1, v0  }
0x14b: {  	v11 =	vld.idx.msk [tilespmem:v23+s21+$0x0], $0xffff;
	v10 =	vadd.s32 v14, v10;
	v14 =	vand.u32 $0xFF, v21;
	v21 =	vshrl.u32 v21, $0x8  }
0x14c: {  	v23 =	vld.idx.msk [tilespmem:v23+s19+$0x0], $0xffff;
	vm1 =	vle.f32 v62, v4;
	vm4 =	vlt.f32 v45, v5;
	v24 =	vand.u32 $0xFFFFFF80, v24  }
0x14d: {  	v14 =	vadd.s32 v54, v14;
	v21 =	vadd.s32 v55, v21;
	vm0 =	vlt.f32 v59, v4  }
0x14e: {  	v6 =	vsub.s32 v10, v12;
	v10 =	vsub.s32 v13, v17;
	v59 =	vsel vm4, $0x1, v0  }
0x14f: {  	v48 =	vld.idx.msk [tilespmem:v29+s24+$0x0], $0xffff;
	v12 =	vshll.u32 v12, $0x6;
	v17 =	vshll.u32 v17, $0x6;
	v2 =	vor.u32 v2, v24  }
0x150: {  	v50 =	vld.idx.msk [tilespmem:v30+s24+$0x0], $0xffff;
	v55 =	vsel vm0, $0x1, v0;
	v6 =	vshll.u32 v6, $0xD;
	v10 =	vshll.u32 v10, $0xD  }
0x151: {  	v2 =	vadd.s32 $0xFFFFD000, v2;
	vm11 =	vle.f32 v11, v16;
	v47 =	vand.u32 $0xFF, v23  }
0x152: {  	v11 =	vld.idx.msk [tilespmem:v19+s19+$0x0], $0xffff;
	v23 =	vshrl.u32 v23, $0x8;
	v16 =	vadd.s32 v51, v18;
	v19 =	vsub.s32 v21, v14  }
0x153: {  	v14 =	vshll.u32 v14, $0x6;
	v6 =	vadd.s32 v12, v6;
	v10 =	vadd.s32 v17, v10  }
0x154: {  	v54 =	vld.idx.msk [tilespmem:v26+s22+$0x0], $0xffff;
	v58 =	vsel vm11, $0x1, v0;
	v61 =	vand.u32 $0xFF, v15;
	v15 =	vshrl.u32 v15, $0x8  }
0x155: {  	v33 =	vadd.s32 v56, v47;
	vm13 =	vle.f32 v48, v5;
	vm14 =	vle.f32 v50, v3  }
0x156: {  	v4 =	vld.idx.msk [tilespmem:v32+s23+$0x0], $0xffff;
	v56 =	vsel vm1, $0x1, v0;
	v19 =	vshll.u32 v19, $0xD;
	v22 =	vadd.s32 v22, v61  }
0x157: {  	v15 =	vadd.s32 v49, v15;
	v23 =	vadd.s32 v58, v23;
	v58 =	vsel vm12, $0x1, v0  }
0x158: {  	v51 =	vld.idx.msk [tilespmem:v25+s23+$0x0], $0xffff;
	v60 =	vsel vm13, $0x1, v0;
	v61 =	vsel vm14, $0x1, v0;
	v14 =	vadd.s32 v14, v19  }
0x159: {  	v13 =	vsub.s32 v15, v22;
	v20 =	vsub.s32 v23, v33;
	v47 =	vand.u32 $0xFF, v54  }
0x15a: {  	v5 =	vld.idx.msk [tilespmem:v32+s24+$0x0], $0xffff;
	v21 =	vshrl.u32 v54, $0x8;
	v22 =	vshll.u32 v22, $0x6;
	v33 =	vshll.u32 v33, $0x6  }
0x15b: {  	v49 =	vld.idx.msk [tilespmem:v30+s23+$0x0], $0xffff;
	vm12 =	vlt.f32 v4, v8;
	v13 =	vshll.u32 v13, $0xD;
	v20 =	vshll.u32 v20, $0xD  }
0x15c: {  	v23 =	vadd.s32 v55, v47;
	v21 =	vadd.s32 v56, v21;
	v63 =	vand.u32 $0xFF, v11  }
0x15d: {  	v15 =	vld.idx.msk [tilespmem:v9+s23+$0x0], $0xffff;
	v11 =	vshrl.u32 v11, $0x8;
	vm15 =	vlt.f32 v51, v1;
	v12 =	vadd.s32 v22, v13  }
0x15e: {  	v4 =	vld.idx.msk [tilespmem:v29+s22+$0x0], $0xffff;
	v13 =	vsub.s32 v21, v23;
	v6 =	vadd.s32 v23, v6;
	v18 =	vadd.s32 v52, v63  }
0x15f: {  	v11 =	vadd.s32 v53, v11;
	v52 =	vld.idx.msk [tilespmem:v25+s24+$0x0], $0xffff;
	vm13 =	vle.f32 v5, v8;
	v62 =	vsel vm15, $0x1, v0  }
0x160: {  	v53 =	vld.idx.msk [tilespmem:v9+s24+$0x0], $0xffff;
	v63 =	vsel vm12, $0x1, v0;
	vm6 =	vlt.f32 v49, v3;
	v3 =	vsub.s32 v16, v28  }
0x161: {  	v5 =	vld.idx.msk [tilespmem:v30+s22+$0x0], $0xffff;
	v11 =	vsub.s32 v11, v18;
	v45 =	vsel vm13, $0x1, v0;
	v28 =	vshll.u32 v28, $0x6  }
0x162: {  	v9 =	vld.idx.msk [tilespmem:v9+s22+$0x0], $0xffff;
	v18 =	vshll.u32 v18, $0x6;
	v8 =	vsel vm6, $0x1, v0;
	vm14 =	vlt.f32 v15, v7  }
0x163: {  	v3 =	vshll.u32 v3, $0xD;
	v11 =	vshll.u32 v11, $0xD;
	v46 =	vsel vm14, $0x1, v0  }
0x164: {  	v15 =	vld.idx.msk [tilespmem:v25+s22+$0x0], $0xffff;
	v50 =	vand.u32 $0xFF, v4;
	v4 =	vshrl.u32 v4, $0x8;
	v3 =	vadd.s32 v28, v3  }
0x165: {  	v11 =	vadd.s32 v18, v11;
	v56 =	vadd.s32 v59, v50;
	vm11 =	vle.f32 v52, v1;
	v1 =	vld.idx.msk [tilespmem:v27+s22+$0x0], $0xffff  }
0x166: {  	v4 =	vadd.s32 v60, v4;
	v59 =	vadd.s32 v33, v20;
	vm15 =	vle.f32 v53, v7;
	v7 =	vld.idx.msk [tilespmem:v32+s22+$0x0], $0xffff  }
0x167: {  	v51 =	vand.u32 $0xFF, v5;
	v5 =	vshrl.u32 v5, $0x8;
	v54 =	vand.u32 $0xFF, v9  }
0x168: {  	v9 =	vshrl.u32 v9, $0x8;
	v34 =	vsel vm11, $0x1, v0;
	v48 =	vsel vm15, $0x1, v0  }
0x169: {  	v5 =	vadd.s32 v61, v5;
	v61 =	vsub.s32 v4, v56;
	v52 =	vand.u32 $0xFF, v15  }
0x16a: {  	v15 =	vshrl.u32 v15, $0x8;
	v9 =	vadd.s32 v48, v9;
	v25 =	vadd.s32 v62, v52  }
0x16b: {  	v49 =	vand.u32 $0xFF, v1;
	v1 =	vshrl.u32 v1, $0x8;
	v53 =	vand.u32 $0xFF, v7  }
0x16c: {  	v7 =	vshrl.u32 v7, $0x8;
	v55 =	vadd.s32 v57, v49;
	v1 =	vadd.s32 v58, v1  }
0x16d: {  	v57 =	vadd.s32 v8, v51;
	v8 =	vadd.s32 v34, v15;
	v15 =	vadd.s32 v63, v53  }
0x16e: {  	v60 =	vld.idx.msk [tilespmem:v2+s18+$0x0], $0xffff;
	v7 =	vadd.s32 v45, v7;
	v58 =	vadd.s32 v46, v54;
	v1 =	vsub.s32 v1, v55  }
0x16f: {  	v62 =	vsub.s32 v5, v57;
	v63 =	vsub.s32 v8, v25;
	v8 =	vsub.s32 v7, v15  }
0x170: {  	v9 =	vsub.s32 v9, v58;
	v7 =	vadd.s32 v55, v10;
	v5 =	vadd.s32 v56, v12  }
0x171: {  	v4 =	vadd.s32 v57, v3;
	v3 =	vadd.s32 v25, v11;
	v2 =	vadd.s32 v15, v14  }
0x172: {  	v14 =	vshll.u32 v13, $0xC;
	v12 =	vshll.u32 v61, $0xC;
	v10 =	vshll.u32 v1, $0xC  }
0x173: {  	s25 =	simm.s32 $0x4000;
	s26 =	simm.s32 $0x200;
	[tilespmem:s17+$0x14070] =	vst v60;
	v1 =	vadd.s32 v58, v59;
	v13 =	vshll.u32 v62, $0xC;
	v11 =	vshll.u32 v63, $0xC  }
.LBB2_4:
0x174: {  	s29 =	sshra.s32 s26, $0x2;
	v15 =	vadd.s32 v14, v6;
	v8 =	vshll.u32 v8, $0xC;
	v9 =	vshll.u32 v9, $0xC  }
0x175: {  	v10 =	vadd.s32 v10, v7;
	v12 =	vadd.s32 v12, v5;
	v16 =	vadd.s32 v13, v4;
	v20 =	vld [tilespmem:s29+$0xC070]  }
0x176: {  	v11 =	vadd.s32 v11, v3;
	v8 =	vadd.s32 v8, v2;
	v9 =	vadd.s32 v9, v1;
	v14 =	vld [tilespmem:s29+$0x4000]  }
0x177: {  	v21 =	vand.u32 $0xFFFFFF80, v15;
	v10 =	vand.u32 $0xFFFFFF80, v10;
	v12 =	vand.u32 $0xFFFFFF80, v12;
	v13 =	vld [tilespmem:s29+$0x4010]  }
0x178: {  	v23 =	vand.u32 $0xFFFFFF80, v16;
	v11 =	vand.u32 $0xFFFFFF80, v11;
	v24 =	vand.u32 $0xFFFFFF80, v8;
	v22 =	vld [tilespmem:s29+$0x4070]  }
0x179: {  	s25 =	sadd.s32 $0x80, s25;
	v6 =	vand.u32 $0x7F, v6;
	v8 =	vand.u32 $0x7F, v7;
	v25 =	vand.u32 $0xFFFFFF80, v9;
	v16 =	vld [tilespmem:s29+$0x4020]  }
0x17a: {  	v5 =	vand.u32 $0x7F, v5;
	v4 =	vand.u32 $0x7F, v4;
	p0 =	slt.u32 s25, $0x7F80;
	v17 =	vld [tilespmem:s29+$0x4030];
	v7 =	vmul.f32 $5.120000000e+02, v20  }
0x17b: {  	v3 =	vand.u32 $0x7F, v3;
	v2 =	vand.u32 $0x7F, v2;
	v9 =	vmul.f32 $5.120000000e+02, v14;
	v19 =	vld [tilespmem:s29+$0x4040]  }
0x17c: {  	v1 =	vand.u32 $0x7F, v1;
	v26 =	vmul.f32 $5.120000000e+02, v13;
	v18 =	vld [tilespmem:s29+$0x4050];
	v7 =	vtrunc.f32 v7  }
0x17d: {  	v21 =	vor.u32 v6, v21;
	v15 =	vld [tilespmem:s29+$0x4060];
	v27 =	vmul.f32 $5.120000000e+02, v22;
	v28 =	vcvt.f32.s32 v7  }
0x17e: {  	v30 =	vor.u32 v8, v10;
	v29 =	vtrunc.f32 v9;
	v7 =	vld [tilespmem:s29+$0xC000];
	v6 =	vmul.f32 $5.120000000e+02, v16  }
0x17f: {  	v5 =	vor.u32 v5, v12;
	v9 =	vld [tilespmem:s29+$0xC010];
	v31 =	vmul.f32 $5.120000000e+02, v17;
	v8 =	vtrunc.f32 v27  }
0x180: {  	v4 =	vor.u32 v4, v23;
	v10 =	vld [tilespmem:s29+$0xC020];
	v12 =	vmul.f32 $5.120000000e+02, v19;
	v27 =	vcvt.f32.s32 v8  }
0x181: {  	v3 =	vor.u32 v3, v11;
	v23 =	vtrunc.f32 v26;
	v8 =	vld [tilespmem:s29+$0xC030];
	v26 =	vmul.f32 $5.120000000e+02, v18  }
0x182: {  	v24 =	vor.u32 v2, v24;
	v11 =	vtrunc.f32 v6;
	v6 =	vld [tilespmem:s29+$0xC040];
	v32 =	vmul.f32 $5.120000000e+02, v15  }
0x183: {  	v25 =	vor.u32 v1, v25;
	v31 =	vtrunc.f32 v31;
	v12 =	vtrunc.f32 v12;
	v33 =	vld.idx.msk [tilespmem:v28+s22+$0x0], $0xffff  }
0x184: {  	v21 =	vadd.s32 $0xFFFFD000, v21;
	v26 =	vtrunc.f32 v26;
	v32 =	vtrunc.f32 v32;
	v34 =	vld.idx.msk [tilespmem:v28+s23+$0x0], $0xffff  }
0x185: {  	v30 =	vadd.s32 $0xFFFFD000, v30;
	v35 =	vmul.f32 $5.120000000e+02, v7;
	v36 =	vmul.f32 $5.120000000e+02, v9;
	v28 =	vld.idx.msk [tilespmem:v28+s24+$0x0], $0xffff  }
0x186: {  	v1 =	vadd.s32 $0xFFFFD000, v5;
	v37 =	vmul.f32 $5.120000000e+02, v10;
	v38 =	vmul.f32 $5.120000000e+02, v8;
	v39 =	vld.idx.msk [tilespmem:v27+s19+$0x0], $0xffff  }
0x187: {  	v2 =	vadd.s32 $0xFFFFD000, v4;
	v29 =	vcvt.f32.s32 v29;
	v40 =	vmul.f32 $5.120000000e+02, v6;
	v41 =	vld.idx.msk [tilespmem:v27+s20+$0x0], $0xffff  }
0x188: {  	v3 =	vadd.s32 $0xFFFFD000, v3;
	v42 =	vcvt.f32.s32 v23;
	v43 =	vcvt.f32.s32 v11;
	v23 =	vld.idx.msk [tilespmem:v27+s21+$0x0], $0xffff  }
0x189: {  	v4 =	vadd.s32 $0xFFFFD000, v24;
	v27 =	vcvt.f32.s32 v31;
	v31 =	vcvt.f32.s32 v12;
	v12 =	vld [tilespmem:s29+$0xC050]  }
0x18a: {  	v5 =	vadd.s32 $0xFFFFD000, v25;
	v26 =	vcvt.f32.s32 v26;
	v32 =	vcvt.f32.s32 v32;
	v11 =	vld [tilespmem:s29+$0xC060]  }
0x18b: {  	v24 =	vtrunc.f32 v35;
	v35 =	vtrunc.f32 v36;
	v21 =	vld.idx.msk [tilespmem:v21+s18+$0x0], $0xffff  }
0x18c: {  	v36 =	vtrunc.f32 v37;
	v37 =	vtrunc.f32 v38;
	v25 =	vand.u32 $0xFF, v33;
	v30 =	vld.idx.msk [tilespmem:v30+s18+$0x0], $0xffff  }
0x18d: {  	v33 =	vshrl.u32 v33, $0x8;
	vm0 =	vlt.f32 v34, v20;
	vm1 =	vle.f32 v28, v20;
	v38 =	vld.idx.msk [tilespmem:v29+s20+$0x0], $0xffff  }
0x18e: {  	v20 =	vand.u32 $0xFF, v39;
	vm2 =	vlt.f32 v41, v22;
	vm3 =	vle.f32 v23, v22;
	v28 =	vld.idx.msk [tilespmem:v29+s21+$0x0], $0xffff  }
0x18f: {  	v22 =	vsel vm2, $0x1, v0;
	v23 =	vshrl.u32 v39, $0x8;
	v39 =	vsel vm3, $0x1, v0;
	v34 =	vld.idx.msk [tilespmem:v42+s20+$0x0], $0xffff  }
0x190: {  	v20 =	vadd.s32 v22, v20;
	v22 =	vadd.s32 v39, v23;
	v23 =	vsel vm0, $0x1, v0;
	v41 =	vld.idx.msk [tilespmem:v42+s21+$0x0], $0xffff  }
0x191: {  	v23 =	vadd.s32 v23, v25;
	v25 =	vsel vm1, $0x1, v0;
	v22 =	vsub.s32 v22, v20;
	v39 =	vld.idx.msk [tilespmem:v43+s20+$0x0], $0xffff;
	[tilespmem:s17+$0x14000] =	vst v21  }
0x192: {  	v20 =	vshll.u32 v20, $0x6;
	v21 =	vadd.s32 v25, v33;
	v22 =	vshll.u32 v22, $0xD;
	v44 =	vld.idx.msk [tilespmem:v43+s21+$0x0], $0xffff;
	[tilespmem:s17+$0x14010] =	vst v30  }
0x193: {  	v25 =	vmul.f32 $5.120000000e+02, v12;
	v21 =	vsub.s32 v21, v23;
	v20 =	vadd.s32 v20, v22;
	v30 =	vld.idx.msk [tilespmem:v27+s20+$0x0], $0xffff  }
0x194: {  	v22 =	vmul.f32 $5.120000000e+02, v11;
	v21 =	vshll.u32 v21, $0xC;
	v20 =	vadd.s32 v23, v20;
	v33 =	vld.idx.msk [tilespmem:v27+s21+$0x0], $0xffff  }
0x195: {  	v40 =	vtrunc.f32 v40;
	v46 =	vtrunc.f32 v25;
	v21 =	vadd.s32 v21, v20;
	v45 =	vld.idx.msk [tilespmem:v31+s20+$0x0], $0xffff  }
0x196: {  	v48 =	vtrunc.f32 v22;
	v20 =	vand.u32 $0x7F, v20;
	v21 =	vand.u32 $0xFFFFFF80, v21;
	v47 =	vld.idx.msk [tilespmem:v31+s21+$0x0], $0xffff  }
0x197: {  	v25 =	vcvt.f32.s32 v24;
	v24 =	vcvt.f32.s32 v35;
	v20 =	vor.u32 v20, v21;
	v35 =	vld.idx.msk [tilespmem:v26+s20+$0x0], $0xffff  }
0x198: {  	v23 =	vcvt.f32.s32 v36;
	v21 =	vcvt.f32.s32 v37;
	v37 =	vadd.s32 $0xFFFFD000, v20;
	v36 =	vld.idx.msk [tilespmem:v26+s21+$0x0], $0xffff  }
0x199: {  	vm0 =	vlt.f32 v38, v14;
	v22 =	vcvt.f32.s32 v40;
	v20 =	vcvt.f32.s32 v46;
	v38 =	vld.idx.msk [tilespmem:v32+s20+$0x0], $0xffff  }
0x19a: {  	vm1 =	vle.f32 v28, v14;
	vm2 =	vlt.f32 v34, v13;
	v14 =	vcvt.f32.s32 v48;
	v28 =	vld.idx.msk [tilespmem:v32+s21+$0x0], $0xffff  }
0x19b: {  	vm3 =	vle.f32 v41, v13;
	vm4 =	vlt.f32 v39, v16;
	vm5 =	vle.f32 v44, v16;
	v29 =	vld.idx.msk [tilespmem:v29+s19+$0x0], $0xffff  }
0x19c: {  	vm6 =	vlt.f32 v30, v17;
	vm7 =	vle.f32 v33, v17;
	vm8 =	vlt.f32 v45, v19;
	v13 =	vld.idx.msk [tilespmem:v42+s19+$0x0], $0xffff  }
0x19d: {  	v16 =	vsel vm0, $0x1, v0;
	vm0 =	vle.f32 v47, v19;
	vm9 =	vlt.f32 v35, v18;
	v17 =	vld.idx.msk [tilespmem:v37+s18+$0x0], $0xffff  }
0x19e: {  	v30 =	vsel vm2, $0x1, v0;
	v19 =	vsel vm1, $0x1, v0;
	vm1 =	vle.f32 v36, v18;
	v33 =	vld.idx.msk [tilespmem:v43+s19+$0x0], $0xffff  }
0x19f: {  	v34 =	vsel vm4, $0x1, v0;
	v18 =	vsel vm3, $0x1, v0;
	vm2 =	vlt.f32 v38, v15;
	v27 =	vld.idx.msk [tilespmem:v27+s19+$0x0], $0xffff  }
0x1a0: {  	v35 =	vsel vm5, $0x1, v0;
	v36 =	vsel vm6, $0x1, v0;
	vm3 =	vle.f32 v28, v15;
	v31 =	vld.idx.msk [tilespmem:v31+s19+$0x0], $0xffff  }
0x1a1: {  	v37 =	vsel vm0, $0x1, v0;
	v15 =	vsel vm7, $0x1, v0;
	v28 =	vsel vm8, $0x1, v0;
	v26 =	vld.idx.msk [tilespmem:v26+s19+$0x0], $0xffff  }
0x1a2: {  	v38 =	vsel vm9, $0x1, v0;
	v39 =	vsel vm1, $0x1, v0;
	v40 =	vsel vm2, $0x1, v0;
	v32 =	vld.idx.msk [tilespmem:v32+s19+$0x0], $0xffff  }
0x1a3: {  	v41 =	vand.u32 $0xFF, v29;
	v29 =	vshrl.u32 v29, $0x8;
	v43 =	vsel vm3, $0x1, v0;
	v42 =	vld.idx.msk [tilespmem:v25+s23+$0x0], $0xffff;
	[tilespmem:s29+$0x14070] =	vst v17  }
0x1a4: {  	v44 =	vand.u32 $0xFF, v13;
	v13 =	vshrl.u32 v13, $0x8;
	v45 =	vand.u32 $0xFF, v33;
	v17 =	vld.idx.msk [tilespmem:v25+s24+$0x0], $0xffff  }
0x1a5: {  	v33 =	vshrl.u32 v33, $0x8;
	v47 =	vand.u32 $0xFF, v27;
	v27 =	vshrl.u32 v27, $0x8;
	v46 =	vld.idx.msk [tilespmem:v24+s23+$0x0], $0xffff  }
0x1a6: {  	v16 =	vadd.s32 v16, v41;
	v48 =	vand.u32 $0xFF, v31;
	v31 =	vshrl.u32 v31, $0x8;
	v41 =	vld.idx.msk [tilespmem:v24+s24+$0x0], $0xffff  }
0x1a7: {  	v19 =	vadd.s32 v19, v29;
	v49 =	vand.u32 $0xFF, v26;
	v26 =	vshrl.u32 v26, $0x8;
	v29 =	vld.idx.msk [tilespmem:v23+s23+$0x0], $0xffff  }
0x1a8: {  	v30 =	vadd.s32 v30, v44;
	v50 =	vand.u32 $0xFF, v32;
	v32 =	vshrl.u32 v32, $0x8;
	v44 =	vld.idx.msk [tilespmem:v23+s24+$0x0], $0xffff  }
0x1a9: {  	v13 =	vadd.s32 v18, v13;
	v18 =	vadd.s32 v34, v45;
	v33 =	vadd.s32 v35, v33;
	v34 =	vld.idx.msk [tilespmem:v21+s23+$0x0], $0xffff  }
0x1aa: {  	v35 =	vadd.s32 v36, v47;
	v15 =	vadd.s32 v15, v27;
	v28 =	vadd.s32 v28, v48;
	v27 =	vld.idx.msk [tilespmem:v21+s24+$0x0], $0xffff  }
0x1ab: {  	v31 =	vadd.s32 v37, v31;
	v37 =	vadd.s32 v38, v49;
	v26 =	vadd.s32 v39, v26;
	v36 =	vld.idx.msk [tilespmem:v22+s23+$0x0], $0xffff  }
0x1ac: {  	vm0 =	vlt.f32 v42, v7;
	v39 =	vadd.s32 v40, v50;
	v32 =	vadd.s32 v43, v32;
	v38 =	vld.idx.msk [tilespmem:v22+s24+$0x0], $0xffff  }
0x1ad: {  	vm1 =	vle.f32 v17, v7;
	vm2 =	vlt.f32 v46, v9;
	vm3 =	vle.f32 v41, v9;
	v7 =	vld.idx.msk [tilespmem:v20+s23+$0x0], $0xffff  }
0x1ae: {  	v9 =	vsub.s32 v19, v16;
	vm4 =	vlt.f32 v29, v10;
	vm5 =	vle.f32 v44, v10;
	v10 =	vld.idx.msk [tilespmem:v20+s24+$0x0], $0xffff  }
0x1af: {  	v13 =	vsub.s32 v13, v30;
	v17 =	vsub.s32 v33, v18;
	vm6 =	vlt.f32 v34, v8;
	v19 =	vld.idx.msk [tilespmem:v14+s23+$0x0], $0xffff  }
0x1b0: {  	vm7 =	vle.f32 v27, v8;
	v8 =	vsub.s32 v15, v35;
	v15 =	vsub.s32 v31, v28;
	v27 =	vld.idx.msk [tilespmem:v14+s24+$0x0], $0xffff  }
0x1b1: {  	v26 =	vsub.s32 v26, v37;
	v29 =	vsub.s32 v32, v39;
	vm8 =	vlt.f32 v36, v6;
	v25 =	vld.idx.msk [tilespmem:v25+s22+$0x0], $0xffff  }
0x1b2: {  	v32 =	vsel vm1, $0x1, v0;
	v31 =	vsel vm0, $0x1, v0;
	vm0 =	vle.f32 v38, v6;
	v24 =	vld.idx.msk [tilespmem:v24+s22+$0x0], $0xffff  }
0x1b3: {  	v33 =	vsel vm3, $0x1, v0;
	v6 =	vsel vm2, $0x1, v0;
	vm1 =	vlt.f32 v7, v12;
	v23 =	vld.idx.msk [tilespmem:v23+s22+$0x0], $0xffff  }
0x1b4: {  	v34 =	vsel vm5, $0x1, v0;
	v7 =	vsel vm4, $0x1, v0;
	vm2 =	vle.f32 v10, v12;
	v21 =	vld.idx.msk [tilespmem:v21+s22+$0x0], $0xffff  }
0x1b5: {  	v10 =	vsel vm6, $0x1, v0;
	v12 =	vsel vm7, $0x1, v0;
	vm3 =	vlt.f32 v19, v11;
	v22 =	vld.idx.msk [tilespmem:v22+s22+$0x0], $0xffff  }
0x1b6: {  	v36 =	vsel vm0, $0x1, v0;
	v19 =	vsel vm8, $0x1, v0;
	vm0 =	vle.f32 v27, v11;
	v20 =	vld.idx.msk [tilespmem:v20+s22+$0x0], $0xffff  }
0x1b7: {  	v11 =	vsel vm1, $0x1, v0;
	v27 =	vsel vm2, $0x1, v0;
	v38 =	vsel vm3, $0x1, v0;
	v14 =	vld.idx.msk [tilespmem:v14+s22+$0x0], $0xffff  }
0x1b8: {  	v40 =	vand.u32 $0xFF, v25;
	v25 =	vshrl.u32 v25, $0x8;
	v41 =	vsel vm0, $0x1, v0;
	v1 =	vld.idx.msk [tilespmem:v1+s18+$0x0], $0xffff  }
0x1b9: {  	v42 =	vand.u32 $0xFF, v24;
	v24 =	vshrl.u32 v24, $0x8;
	v43 =	vand.u32 $0xFF, v23;
	v2 =	vld.idx.msk [tilespmem:v2+s18+$0x0], $0xffff  }
0x1ba: {  	v23 =	vshrl.u32 v23, $0x8;
	v44 =	vand.u32 $0xFF, v21;
	v21 =	vshrl.u32 v21, $0x8;
	v3 =	vld.idx.msk [tilespmem:v3+s18+$0x0], $0xffff  }
0x1bb: {  	v9 =	vshll.u32 v9, $0xD;
	v45 =	vand.u32 $0xFF, v22;
	v22 =	vshrl.u32 v22, $0x8;
	v4 =	vld.idx.msk [tilespmem:v4+s18+$0x0], $0xffff  }
0x1bc: {  	v13 =	vshll.u32 v13, $0xD;
	v46 =	vand.u32 $0xFF, v20;
	v20 =	vshrl.u32 v20, $0x8;
	v5 =	vld.idx.msk [tilespmem:v5+s18+$0x0], $0xffff  }
0x1bd: {  	v17 =	vshll.u32 v17, $0xD;
	v47 =	vand.u32 $0xFF, v14;
	v14 =	vshrl.u32 v14, $0x8  }
0x1be: {  	v26 =	vshll.u32 v26, $0xD;
	v8 =	vshll.u32 v8, $0xD;
	v15 =	vshll.u32 v15, $0xD;
	[tilespmem:s17+$0x14020] =	vst v1  }
0x1bf: {  	v29 =	vshll.u32 v29, $0xD;
	v1 =	vshll.u32 v16, $0x6;
	v16 =	vshll.u32 v30, $0x6;
	[tilespmem:s17+$0x14030] =	vst v2  }
0x1c0: {  	v28 =	vshll.u32 v28, $0x6;
	v2 =	vshll.u32 v18, $0x6;
	v18 =	vshll.u32 v35, $0x6;
	[tilespmem:s17+$0x14040] =	vst v3  }
0x1c1: {  	v30 =	vshll.u32 v37, $0x6;
	v3 =	vadd.s32 v31, v40;
	v31 =	vshll.u32 v39, $0x6;
	[tilespmem:s17+$0x14050] =	vst v4  }
0x1c2: {  	v4 =	vadd.s32 v32, v25;
	v25 =	vadd.s32 v6, v42;
	v6 =	vadd.s32 v33, v24;
	[tilespmem:s17+$0x14060] =	vst v5;
	s17 =	smov.u32 s29  }
0x1c3: {  	v10 =	vadd.s32 v10, v44;
	v5 =	vadd.s32 v7, v43;
	v7 =	vadd.s32 v34, v23  }
0x1c4: {  	v12 =	vadd.s32 v12, v21;
	v19 =	vadd.s32 v19, v45;
	v21 =	vadd.s32 v36, v22  }
0x1c5: {  	v11 =	vadd.s32 v11, v46;
	v20 =	vadd.s32 v27, v20;
	v22 =	vadd.s32 v38, v47  }
0x1c6: {  	v1 =	vadd.s32 v1, v9;
	v13 =	vadd.s32 v16, v13;
	v9 =	vadd.s32 v41, v14  }
0x1c7: {  	v15 =	vadd.s32 v28, v15;
	v2 =	vadd.s32 v2, v17;
	v14 =	vadd.s32 v18, v8  }
0x1c8: {  	v17 =	vadd.s32 v30, v26;
	v18 =	vadd.s32 v31, v29;
	v16 =	vsub.s32 v4, v3  }
0x1c9: {  	v26 =	vsub.s32 v12, v10;
	v23 =	vsub.s32 v6, v25;
	v24 =	vsub.s32 v7, v5  }
.Ltmp1:
0x1ca: {  	v21 =	vsub.s32 v21, v19;
	v8 =	vsub.s32 v20, v11;
	v9 =	vsub.s32 v9, v22;
	(pc) =	sbr.rel @p0 .LBB2_4-.Ltmp1, $4  }
0x1cb: {  	v6 =	vadd.s32 v3, v1;
	v7 =	vadd.s32 v25, v13;
	v5 =	vadd.s32 v5, v2  }
0x1cc: {  	v4 =	vadd.s32 v10, v14;
	v3 =	vadd.s32 v19, v15;
	v2 =	vadd.s32 v11, v17  }
0x1cd: {  	v1 =	vadd.s32 v22, v18;
	v14 =	vshll.u32 v16, $0xC;
	v10 =	vshll.u32 v23, $0xC  }
0x1ce: {  	s26 =	sadd.s32 $0x200, s26;
	v13 =	vshll.u32 v26, $0xC;
	v11 =	vshll.u32 v21, $0xC;
	v12 =	vshll.u32 v24, $0xC  }
0x1cf: {  	v14 =	vadd.s32 v14, v6  }
0x1d0: {  	v8 =	vshll.u32 v8, $0xC;
	v9 =	vshll.u32 v9, $0xC;
	v10 =	vadd.s32 v10, v7  }
0x1d1: {  	v12 =	vadd.s32 v12, v5;
	v13 =	vadd.s32 v13, v4;
	v11 =	vadd.s32 v11, v3  }
0x1d2: {  	v60 =	vand.u32 $0x7F, v6;
	v61 =	vand.u32 $0x7F, v7;
	v62 =	vand.u32 $0x7F, v5  }
0x1d3: {  	v63 =	vand.u32 $0x7F, v4;
	v3 =	vand.u32 $0x7F, v3;
	v8 =	vadd.s32 v8, v2  }
0x1d4: {  	v9 =	vadd.s32 v9, v1;
	v14 =	vand.u32 $0xFFFFFF80, v14;
	v10 =	vand.u32 $0xFFFFFF80, v10  }
0x1d5: {  	v12 =	vand.u32 $0xFFFFFF80, v12;
	v13 =	vand.u32 $0xFFFFFF80, v13;
	v6 =	vor.u32 v60, v14  }
0x1d6: {  	v11 =	vand.u32 $0xFFFFFF80, v11;
	v7 =	vor.u32 v61, v10;
	v6 =	vadd.s32 $0xFFFFD000, v6  }
0x1d7: {  	v2 =	vand.u32 $0x7F, v2;
	v5 =	vor.u32 v62, v12;
	v7 =	vadd.s32 $0xFFFFD000, v7  }
0x1d8: {  	v1 =	vand.u32 $0x7F, v1;
	v4 =	vor.u32 v63, v13;
	v5 =	vadd.s32 $0xFFFFD000, v5  }
0x1d9: {  	v8 =	vand.u32 $0xFFFFFF80, v8;
	v3 =	vor.u32 v3, v11;
	v4 =	vadd.s32 $0xFFFFD000, v4  }
0x1da: {  	v9 =	vand.u32 $0xFFFFFF80, v9;
	v2 =	vor.u32 v2, v8;
	v3 =	vadd.s32 $0xFFFFD000, v3  }
0x1db: {  	v1 =	vor.u32 v1, v9;
	v2 =	vadd.s32 $0xFFFFD000, v2;
	v6 =	vld.idx.msk [tilespmem:v6+s18+$0x0], $0xffff  }
0x1dc: {  	v1 =	vadd.s32 $0xFFFFD000, v1;
	v7 =	vld.idx.msk [tilespmem:v7+s18+$0x0], $0xffff  }
0x1dd: {  	v5 =	vld.idx.msk [tilespmem:v5+s18+$0x0], $0xffff  }
0x1de: {  	v4 =	vld.idx.msk [tilespmem:v4+s18+$0x0], $0xffff  }
0x1df: {  	v3 =	vld.idx.msk [tilespmem:v3+s18+$0x0], $0xffff  }
0x1e0: {  	v2 =	vld.idx.msk [tilespmem:v2+s18+$0x0], $0xffff;
	[tilespmem:s17+$0x14000] =	vst v6  }
0x1e1: {  	v1 =	vld.idx.msk [tilespmem:v1+s18+$0x0], $0xffff;
	[tilespmem:s17+$0x14010] =	vst v7  }
0x1e2: {  	[tilespmem:s17+$0x14020] =	vst v5  }
0x1e3: {  	[tilespmem:s17+$0x14030] =	vst v4  }
0x1e4: {  	[tilespmem:s17+$0x14040] =	vst v3  }
0x1e5: {  	[tilespmem:s17+$0x14050] =	vst v2  }
0x1e6: {  	s31 =	simm.s32 $0x14000;
	s5 =	sadd.s32 $0x1, s5;
	[tilespmem:s17+$0x14060] =	vst v1  }
0x1e7: {  	[hbm4b:s15+s1] =	stream.linear.scatter [tilespmem:s31], [sflag:$0x3], $0x4000, $0x38;
	[tilespmem:$0x1CF00] =	vst v63  }
0x1e8: {  	p0 =	sne.s32 s5, s16;
	_ =	swait.ge [sflag:s0], $0x4000  }
.Ltmp2:
0x1e9: {  	[sflag:s0] =	ssyncset.done $0x0;
	(pc) =	sbr.rel @p0 .LBB2_1-.Ltmp2, $4  }
0x1ea: {  	[sflag:s0] =	ssyncadd.s32 $0xFFFFC000  }
0x1eb: {  	_ =	swait.ge [sflag:s0], $0x4000  }
0x1ec: {  	[sflag:s0] =	ssyncset.done $0x0  }
0x1ed: {  	[sflag:s0] =	ssyncadd.s32 $0xFFFFC000  }
0x1ee: {  	_ =	sfence.sel $0x180000  }
0x1ef: {  	[bflag:$0x0] =	sbarrier.arrive $0xFFFF  }
0x1f0: {  	_ =	strace $0x90000047  }
0x1f1: {  	s0 =	stileid.u32;
	[bflag:$0x2] =	sbarrier.arrive $0xFFFF  }
0x1f2: {  	p0 =	sne.s32 s0, $0x0;
	s0 =	rddreg [dreg:$0x2]  }
0x1f3: {  	s0 =	sadd.s32 @!p0 $0x100000, s0  }
0x1f4: {  	[sflag:s0] =	ssyncadd.tile.s32 @!p0 $0x1;
	_ =	shalt  }
.Lfunc_end2:
_tile_overlayer_lowered:
.L_overlay_start_2:
0x1f5: {  	(tag) =	ssettag $0x2  }
0x1f6: {  	s0 =	rddreg [dreg:$0x0];
	s2 =	stileid.u32  }
0x1f7: {  	s1 =	rddreg [dreg:$0x1];
	p0 =	sne.s32 s2, $0x0  }
0x1f8: {  	s3 =	rddreg [dreg:$0x2];
	[bflag:$0x3] =	sbarrier.arrive $0xFFFF;
	s2 =	simm.s32 @!p0 $0x1C04  }
0x1f9: {  	[timem:s3], [sflag:s2] =	dma.local @!p0 [hbm:s0], s1  }
0x1fa: {  	s0 =	simm.s32 @!p0 $0x4  }
0x1fb: {  	_ =	swait.ge @!p0 [sflag:s0], s1  }
0x1fc: {  	s1 =	ssub.s32 @!p0 $0x0, s1;
	[sflag:s0] =	ssyncset.done @!p0 $0x0  }
0x1fd: {  	[sflag:s0] =	ssyncadd.s32 @!p0 s1  }
0x1fe: {  	[bflag:$0x3] =	sbarrier.arrive $0xFFFF  }
0x1ff: {  	_ =	shalt  }

</sc_bundles>
